<compile_context>
chip_gen: v7x
topology: tpu7x:2x2x1
jax: 0.10.2.dev20260603
libtpu: 0.0.44.dev20260713+nightly
codegen_flags: <defaults>
</compile_context>

<pallas_src>
import functools

import jax
import jax.numpy as jnp
from jax import lax
from jax.experimental import pallas as pl
from jax.experimental.pallas import tpu as pltpu
from jax.experimental.pallas import tpu_sc as plsc

_MM = 16
_COND = 0.2
_IOU = 0.3
_R = 512
_C = 512
_RC = 512


def _nms_body(nv_ref, rowdat_ref, colsT_ref, stats_ref, idx_ref,
              m_s, sup_s, cnt_s, idx_s):
    i = pl.program_id(0)
    np_ = colsT_ref.shape[1]
    zrow = np_
    rd = rowdat_ref[...]
    x1r = rd[:, 0:1] - rd[:, 2:3] * 0.5
    x2r = rd[:, 0:1] + rd[:, 2:3] * 0.5
    y1r = rd[:, 1:2] - rd[:, 3:4] * 0.5
    y2r = rd[:, 1:2] + rd[:, 3:4] * 0.5
    ar = rd[:, 2:3] * rd[:, 3:4]
    lr = rd[:, 4:5]
    validr = rd[:, 5:6] > _COND
    rowg = i * _R + lax.broadcasted_iota(jnp.int32, (_R, 1), 0)
    big = jnp.int32(2 ** 30)
    lane16 = lax.broadcasted_iota(jnp.int32, (_R, _MM), 1)

    sup_s[...] = jnp.zeros((_R, 1), jnp.float32)
    cnt_s[...] = jnp.zeros((_R, 1), jnp.int32)
    idx_s[...] = jnp.full((_R, _MM), zrow, jnp.int32)

    def make_chunk(do_sup, do_mem):
        def chunk(ci, carry):
            c0 = pl.multiple_of(ci * _C, _C)
            ct = colsT_ref[:, pl.ds(c0, _C)]
            x1c = ct[0:1] - ct[2:3] * 0.5
            x2c = ct[0:1] + ct[2:3] * 0.5
            y1c = ct[1:2] - ct[3:4] * 0.5
            y2c = ct[1:2] + ct[3:4] * 0.5
            ac = ct[2:3] * ct[3:4]
            lc = jnp.where(ct[5:6] > _COND, ct[4:5], -2.0)
            ix = jnp.clip(jnp.minimum(x2r, x2c) - jnp.maximum(x1r, x1c), 0.0)
            iy = jnp.clip(jnp.minimum(y2r, y2c) - jnp.maximum(y1r, y1c), 0.0)
            inter = ix * iy
            union = jnp.clip(ar + ac - inter, 1e-6)
            iou = inter / union
            condv = (iou > _IOU) & (lr == lc)
            colg = c0 + lax.broadcasted_iota(jnp.int32, (1, _C), 1)
            if do_sup and do_mem:
                ge = colg >= rowg
                supc = jnp.any(condv & jnp.logical_not(ge), axis=1,
                               keepdims=True)
                sup_s[...] = jnp.maximum(sup_s[...], supc.astype(jnp.float32))
                m0 = condv & ge & (cnt_s[...] < _MM)
            elif do_sup:
                supc = jnp.any(condv, axis=1, keepdims=True)
                sup_s[...] = jnp.maximum(sup_s[...], supc.astype(jnp.float32))
                return carry
            else:
                m0 = condv & (cnt_s[...] < _MM)
            colb = jnp.broadcast_to(colg, (_R, _C))
            m_s[...] = m0.astype(jnp.int32)

            def wcond(rem):
                return rem > 0.0

            def wbody(rem):
                mb = m_s[...] > 0
                cand = jnp.where(mb, colb, big)
                first = jnp.min(cand, axis=1, keepdims=True)
                has = first < big
                cnt = cnt_s[...]
                selw = (lane16 == cnt) & has & (cnt < _MM)
                idx_s[...] = jnp.where(selw,
                                       jnp.broadcast_to(first, (_R, _MM)),
                                       idx_s[...])
                cnt = cnt + has.astype(jnp.int32)
                cnt_s[...] = cnt
                mnew = mb & (colb != first) & (cnt < _MM)
                m_s[...] = mnew.astype(jnp.int32)
                return jnp.sum(mnew.astype(jnp.float32))

            lax.while_loop(wcond, wbody, jnp.sum(m0.astype(jnp.float32)))
            return carry
        return chunk

    nv = nv_ref[0]
    nchunks = jnp.where(i * _R >= nv, 0, (nv + (_C - 1)) // _C)
    lo_end = jnp.minimum(nchunks, (i * _R) // _C)
    mid_end = jnp.minimum(nchunks, ((i + 1) * _R + _C - 1) // _C)
    lax.fori_loop(0, lo_end, make_chunk(True, False), 0)
    lax.fori_loop(lo_end, mid_end, make_chunk(True, True), 0)
    lax.fori_loop(mid_end, nchunks, make_chunk(False, True), 0)
    keep = validr & (sup_s[...] < 0.5)
    stats_ref[...] = jnp.concatenate(
        [keep.astype(jnp.float32), cnt_s[...].astype(jnp.float32),
         jnp.zeros((_R, 6), jnp.float32)], axis=1)
    idx_ref[...] = idx_s[...]


def _sc_gather(table_flat, addr):
    info = plsc.get_sparse_core_info()
    nc, ns = info.num_cores, info.num_subcores
    nw = nc * ns
    tw = table_flat.shape[0]
    wpw = addr.shape[0] // nw
    addr = addr.reshape(nw, wpw)
    ng = wpw // 16
    mesh = plsc.VectorSubcoreMesh(core_axis_name="c", subcore_axis_name="s")

    @functools.partial(
        pl.kernel, mesh=mesh,
        out_type=jax.ShapeDtypeStruct((nw, wpw), jnp.float32),
        scratch_types=[
            pltpu.VMEM((tw,), jnp.float32),
            pltpu.VMEM((wpw,), jnp.int32),
            pltpu.VMEM((wpw,), jnp.float32),
        ],
        compiler_params=pltpu.CompilerParams(use_tc_tiling_on_sc=False,
                                             needs_layout_passes=False),
    )
    def gk(table_hbm, addr_hbm, out_hbm, table_v, addr_v, rows_v):
        wid = lax.axis_index("s") * nc + lax.axis_index("c")
        pltpu.sync_copy(table_hbm, table_v)
        pltpu.sync_copy(addr_hbm.at[wid], addr_v)

        def body(g, carry):
            base = g * 128
            for u in range(8):
                av = addr_v[pl.ds(base + u * 16, 16)]
                rows_v[pl.ds(base + u * 16, 16)] = plsc.load_gather(
                    table_v, [av])
            return carry

        lax.fori_loop(0, ng // 8, body, 0)
        pltpu.sync_copy(rows_v, out_hbm.at[wid])

    return gk(table_flat, addr)


def _merge_body(m_ref, w1_ref, b1_ref, w2_ref, b2_ref, w3_ref, b3_ref,
                stats_ref, b8_ref, out_ref):
    x = m_ref[...]
    h = jnp.dot(x, w1_ref[...], preferred_element_type=jnp.float32) + b1_ref[...]
    h = jnp.maximum(h, 0.0)
    h = jnp.dot(h, w2_ref[...], preferred_element_type=jnp.float32) + b2_ref[...]
    h = jnp.maximum(h, 0.0)
    o = jnp.dot(h, w3_ref[...], preferred_element_type=jnp.float32) + b3_ref[...]
    lane = lax.broadcasted_iota(jnp.int32, (1, 128), 1)
    minv = jnp.where((lane >= 3) & (lane < 6), 1e-5, -3.4e38)
    o = jnp.maximum(o, minv)
    m8 = o[:, 0:8]
    st = stats_ref[...]
    keep = st[:, 0:1] > 0.5
    use = keep & (st[:, 1:2] > 1.5)
    res = jnp.where(use, m8, b8_ref[...])
    out_ref[...] = jnp.where(keep, res, 0.0)


def kernel(boxes, scores, labels, W1, b1, W2, b2, W3, b3):
    f32 = jnp.float32
    n = boxes.shape[0]
    np_ = ((n + 127) // 128) * 128
    pad = np_ - n

    bx = boxes.astype(f32)
    zero1 = jnp.zeros((n, 1), f32)
    pack = jnp.concatenate(
        [bx[:, 0:2], bx[:, 3:5], labels.astype(f32)[:, None],
         scores.astype(f32)[:, None], zero1, zero1, bx, zero1], axis=1)
    sp = pack[jnp.argsort(-scores)]
    b = sp[:, 8:15]
    s = sp[:, 5]

    rowdat = jnp.concatenate(
        [sp[:, :8],
         jnp.tile(jnp.array([[0, 0, 0, 0, -1.0, -1.0, 0, 0]], f32), (pad, 1))],
        axis=0)
    colsT = rowdat.T

    nv = jnp.sum(s > _COND).astype(jnp.int32)[None]
    stats, idx16 = pl.pallas_call(
        _nms_body,
        grid_spec=pltpu.PrefetchScalarGridSpec(
            num_scalar_prefetch=1,
            grid=(np_ // _R,),
            in_specs=[pl.BlockSpec((_R, 8), lambda i, nv_ref: (i, 0)),
                      pl.BlockSpec((8, np_), lambda i, nv_ref: (0, 0))],
            out_specs=[pl.BlockSpec((_R, 8), lambda i, nv_ref: (i, 0)),
                       pl.BlockSpec((_R, _MM), lambda i, nv_ref: (i, 0))],
            scratch_shapes=[pltpu.VMEM((_R, _C), jnp.int32),
                            pltpu.VMEM((_R, 1), f32),
                            pltpu.VMEM((_R, 1), jnp.int32),
                            pltpu.VMEM((_R, _MM), jnp.int32)],
        ),
        out_shape=[jax.ShapeDtypeStruct((np_, 8), f32),
                   jax.ShapeDtypeStruct((np_, _MM), jnp.int32)],
    )(nv, rowdat, colsT)

    table_flat = jnp.zeros((np_ + 8, 8), f32).at[:n, :7].set(b).reshape(-1)
    addr = (idx16.reshape(-1, 1) * 8 +
            jnp.arange(8, dtype=jnp.int32)).reshape(-1)
    g = _sc_gather(table_flat, addr)
    m_in = g.reshape(np_, _MM * 8)

    eye8 = jnp.eye(8, dtype=f32)
    w1p = jnp.einsum('dD,ok->kdDo', eye8, W1).reshape(128, 128)
    b1p = jnp.tile(b1, 8)[None, :]
    w2p = jnp.einsum('dD,Oo->doDO', eye8, W2).reshape(128, 128)
    b2p = jnp.tile(b2, 8)[None, :]
    w3p = jnp.pad(jnp.einsum('dD,o->doD', eye8, W3[0]).reshape(128, 8),
                  ((0, 0), (0, 120)))
    b3p = jnp.full((1, 128), b3[0], f32)
    b8 = jnp.pad(b, ((0, pad), (0, 1)))

    out8 = pl.pallas_call(
        _merge_body,
        grid=(np_ // _RC,),
        in_specs=[pl.BlockSpec((_RC, _MM * 8), lambda i: (i, 0)),
                  pl.BlockSpec((128, 128), lambda i: (0, 0)),
                  pl.BlockSpec((1, 128), lambda i: (0, 0)),
                  pl.BlockSpec((128, 128), lambda i: (0, 0)),
                  pl.BlockSpec((1, 128), lambda i: (0, 0)),
                  pl.BlockSpec((128, 128), lambda i: (0, 0)),
                  pl.BlockSpec((1, 128), lambda i: (0, 0)),
                  pl.BlockSpec((_RC, 8), lambda i: (i, 0)),
                  pl.BlockSpec((_RC, 8), lambda i: (i, 0))],
        out_specs=pl.BlockSpec((_RC, 8), lambda i: (i, 0)),
        out_shape=jax.ShapeDtypeStruct((np_, 8), f32),
    )(m_in, w1p, b1p, w2p, b2p, w3p, b3p, stats, b8)

    return out8[:n, :7]

# --- scband reference (transcript-rebuilt; emitter-appended) ---
"""Pipeline reference for scband-ensemble-37125697306783 (READ-ONLY COPY).

The authoritative reference and input builder live on the scoring server;
editing this copy changes nothing except your own understanding.
"""

import jax, jax.numpy as jnp
import numpy as np
from jax import lax

N = 5000
MAX_MERGE = 16
COND_THRES = 0.2
IOU_THRESH = 0.3


def setup_inputs(seed: int = 0) -> dict:
    key = jax.random.key(seed)
    k1, k2, k3, k4, k5, k6, k7, k8, k9, k10, k11, k12 = jax.random.split(key, 12)
    xy = jax.random.uniform(k1, (N, 2), dtype=jnp.float32) * 100.0
    z = jax.random.uniform(k2, (N, 1), dtype=jnp.float32) * 6.0 - 3.0
    sz = jax.random.uniform(k3, (N, 3), dtype=jnp.float32) * 4.0 + 1.0
    hd = (jax.random.uniform(k4, (N, 1), dtype=jnp.float32) - 0.5) * 2.0 * np.pi
    boxes = jnp.concatenate([xy, z, sz, hd], axis=1)
    scores = jax.random.uniform(k5, (N,), dtype=jnp.float32)
    labels = jax.random.randint(k6, (N,), 0, 3, dtype=jnp.int64)
    W1 = jax.random.normal(k7, (16, 16), dtype=jnp.float32) * 0.1
    b1 = jax.random.normal(k8, (16,), dtype=jnp.float32) * 0.1
    W2 = jax.random.normal(k9, (16, 16), dtype=jnp.float32) * 0.1
    b2 = jax.random.normal(k10, (16,), dtype=jnp.float32) * 0.1
    W3 = jax.random.normal(k11, (1, 16), dtype=jnp.float32) * 0.1
    b3 = jax.random.normal(k12, (1,), dtype=jnp.float32) * 0.1
    return {"boxes": boxes, "scores": scores, "labels": labels,
            "W1": W1, "b1": b1, "W2": W2, "b2": b2, "W3": W3, "b3": b3}


def _mergenet(overlap, W1, b1, W2, b2, W3, b3):
    # overlap: [N, MAX_MERGE, 7] -> permute -> Linear stack over the k axis -> [N, 7]
    xT = jnp.swapaxes(overlap, 1, 2)  # [N, 7, MAX_MERGE]
    h = jax.nn.relu(xT @ W1.T + b1)
    h = jax.nn.relu(h @ W2.T + b2)
    out = h @ W3.T + b3  # [N, 7, 1]
    return out[..., 0]


def reference(boxes, scores, labels, W1, b1, W2, b2, W3, b3):
    # sort by descending score
    order = jnp.argsort(-scores)
    b = boxes[order]
    s = scores[order]
    l = labels[order]
    valid = s > COND_THRES
    # axis-aligned BEV IoU (nearest-bev approximation of boxes3d_nearest_bev_iou)
    x, y, dx, dy = b[:, 0], b[:, 1], b[:, 3], b[:, 4]
    x1, x2 = x - dx / 2, x + dx / 2
    y1, y2 = y - dy / 2, y + dy / 2
    ix = jnp.clip(jnp.minimum(x2[:, None], x2[None, :]) - jnp.maximum(x1[:, None], x1[None, :]), 0.0)
    iy = jnp.clip(jnp.minimum(y2[:, None], y2[None, :]) - jnp.maximum(y1[:, None], y1[None, :]), 0.0)
    inter = ix * iy
    area = dx * dy
    union = jnp.clip(area[:, None] + area[None, :] - inter, 1e-6)
    iou = inter / union
    same = l[:, None] == l[None, :]
    iou = jnp.where(same, iou, 0.0)
    n = b.shape[0]
    ar = jnp.arange(n)
    higher = ar[None, :] < ar[:, None]
    suppressed = jnp.any((iou > IOU_THRESH) & higher & valid[None, :], axis=1)
    keep = valid & (~suppressed)
    # cluster membership: each kept box merges all lower-scored overlapping boxes of same class
    member = (iou > IOU_THRESH) & (ar[None, :] >= ar[:, None]) & valid[None, :]
    count = member.sum(axis=1)
    # pick first MAX_MERGE members in score order
    sel_val = jnp.where(member, 1.0, -1.0) - ar[None, :].astype(jnp.float32) * 1e-7
    _, idx = lax.top_k(sel_val, MAX_MERGE)  # [N, MAX_MERGE]
    mem_boxes = b[idx]  # [N, MAX_MERGE, 7]
    sel_mask = jnp.take_along_axis(member, idx, axis=1)
    overlap = jnp.where(sel_mask[..., None], mem_boxes, 0.0)
    merged = _mergenet(overlap, W1, b1, W2, b2, W3, b3)  # [N, 7]
    merged = jnp.concatenate([merged[:, :3], jnp.clip(merged[:, 3:6], 1e-5), merged[:, 6:]], axis=1)
    use_merge = keep & (count > 1)
    new_b = jnp.where(use_merge[:, None], merged, b)
    new_b = jnp.where(keep[:, None], new_b, 0.0)
    return new_b

if __name__ == "__main__":
    import jax
    _d = setup_inputs()
    print(jax.jit(kernel)(*tuple(_d.values())))

</pallas_src>

<mosaic_0001>
#map = affine_map<(d0, d1) -> (0)>
#map1 = affine_map<(d0, d1) -> (0, 0)>
module attributes {stable_mosaic.version = 14 : i64} {
  func.func @gk(%arg0: i32, %arg1: i32, %arg2: memref<41024xf32, #tpu.memory_space<hbm>>, %arg3: memref<32x20480xi32, #tpu.memory_space<hbm>>, %arg4: memref<32x20480xf32, #tpu.memory_space<hbm>>, %arg5: memref<41024xf32, #tpu.memory_space<vmem>>, %arg6: memref<20480xi32, #tpu.memory_space<vmem>>, %arg7: memref<20480xf32, #tpu.memory_space<vmem>>) attributes {dimension_semantics = [#tpu.dimension_semantics<core_parallel>, #tpu.dimension_semantics<subcore_parallel>], iteration_bounds = array<i64: 2, 16>, scalar_prefetch = 0 : i64, scratch_operands = 3 : i64, tpu.core_type = #tpu.core_type<sc_vector_subcore>, window_params = [{transform_indices = #map}, {transform_indices = #map1}, {transform_indices = #map1}]} {
    %mul3A = arith.constant 2 : i32
    %mul3A_0 = arith.muli %arg1, %mul3A : i32
    %add3A = arith.addi %mul3A_0, %arg0 : i32
    "tpu.region"() ({
      %run_scoped3A = tpu.sem_alloc : memref<!tpu.dma_semaphore, #tpu.memory_space<semaphore_mem>>
      tpu.enqueue_dma source(%arg2 : memref<41024xf32, #tpu.memory_space<hbm>>) target(%arg5 : memref<41024xf32, #tpu.memory_space<vmem>>) target_semaphore(%run_scoped3A : memref<!tpu.dma_semaphore, #tpu.memory_space<semaphore_mem>>)
      tpu.wait_dma2 semaphore(%run_scoped3A : memref<!tpu.dma_semaphore, #tpu.memory_space<semaphore_mem>>) src(%arg2 : memref<41024xf32, #tpu.memory_space<hbm>>) dst(%arg5 : memref<41024xf32, #tpu.memory_space<vmem>>)
      tpu.yield
    }) : () -> ()
    "tpu.region"() ({
      %run_scoped3A = tpu.sem_alloc : memref<!tpu.dma_semaphore, #tpu.memory_space<semaphore_mem>>
      %dma_start3A = arith.constant 0 : i32
      %dma_start3A_6 = tpu.memref_slice %arg3[%add3A, %dma_start3A] : memref<32x20480xi32, #tpu.memory_space<hbm>> -> memref<1x20480xi32, #tpu.memory_space<hbm>>
      %dma_start3A_7 = tpu.memref_squeeze %dma_start3A_6 : memref<1x20480xi32, #tpu.memory_space<hbm>> -> memref<20480xi32, #tpu.memory_space<hbm>>
      %dma_start3A_8 = arith.constant 0 : i32
      %dma_start3A_9 = tpu.memref_slice %arg3[%add3A, %dma_start3A_8] : memref<32x20480xi32, #tpu.memory_space<hbm>> -> memref<1x20480xi32, #tpu.memory_space<hbm>>
      %dma_start3A_10 = tpu.memref_squeeze %dma_start3A_9 : memref<1x20480xi32, #tpu.memory_space<hbm>> -> memref<20480xi32, #tpu.memory_space<hbm>>
      tpu.enqueue_dma source(%dma_start3A_10 : memref<20480xi32, #tpu.memory_space<hbm>>) target(%arg6 : memref<20480xi32, #tpu.memory_space<vmem>>) target_semaphore(%run_scoped3A : memref<!tpu.dma_semaphore, #tpu.memory_space<semaphore_mem>>)
      %dma_wait3A = arith.constant 0 : i32
      %dma_wait3A_11 = tpu.memref_slice %arg3[%add3A, %dma_wait3A] : memref<32x20480xi32, #tpu.memory_space<hbm>> -> memref<1x20480xi32, #tpu.memory_space<hbm>>
      %dma_wait3A_12 = tpu.memref_squeeze %dma_wait3A_11 : memref<1x20480xi32, #tpu.memory_space<hbm>> -> memref<20480xi32, #tpu.memory_space<hbm>>
      %dma_wait3A_13 = arith.constant 0 : i32
      %dma_wait3A_14 = tpu.memref_slice %arg3[%add3A, %dma_wait3A_13] : memref<32x20480xi32, #tpu.memory_space<hbm>> -> memref<1x20480xi32, #tpu.memory_space<hbm>>
      %dma_wait3A_15 = tpu.memref_squeeze %dma_wait3A_14 : memref<1x20480xi32, #tpu.memory_space<hbm>> -> memref<20480xi32, #tpu.memory_space<hbm>>
      tpu.wait_dma2 semaphore(%run_scoped3A : memref<!tpu.dma_semaphore, #tpu.memory_space<semaphore_mem>>) src(%dma_wait3A_15 : memref<20480xi32, #tpu.memory_space<hbm>>) dst(%arg6 : memref<20480xi32, #tpu.memory_space<vmem>>)
      tpu.yield
    }) : () -> ()
    %scan3A = arith.constant 0 : i32
    %scan3A_1 = arith.constant 0 : i32
    %scan3A_2 = arith.constant 160 : i32
    %scan3A_3 = arith.addi %scan3A_1, %scan3A_2 : i32
    %scan3A_4 = arith.constant 1 : i32
    scf.for %scan3A_6 = %scan3A_1 to %scan3A_3 step %scan3A_4  : i32 {
      %mul3A_7 = arith.constant 128 : i32
      %mul3A_8 = arith.muli %scan3A_6, %mul3A_7 : i32
      %add3A_9 = arith.constant 0 : i32
      %add3A_10 = arith.addi %mul3A_8, %add3A_9 : i32
      %get3A = arith.index_cast %add3A_10 : i32 to index
      %get3A_11 = tpu.vector_load %arg6[%get3A] {strides = array<i32>} : memref<20480xi32, #tpu.memory_space<vmem>>, vector<16xi32>,
      %gather3A = tpu.vector_load_idx %arg5[%get3A_11] : memref<41024xf32, #tpu.memory_space<vmem>>[vector<16xi32>], vector<16xf32>,
      %add3A_12 = arith.constant 0 : i32
      %add3A_13 = arith.addi %mul3A_8, %add3A_12 : i32
      %swap3A = arith.index_cast %add3A_13 : i32 to index
      %swap3A_14 = tpu.vector_load %arg7[%swap3A] {strides = array<i32>} : memref<20480xf32, #tpu.memory_space<vmem>>, vector<16xf32>,
      tpu.vector_store %arg7[%swap3A], %gather3A {strides = array<i32>} : memref<20480xf32, #tpu.memory_space<vmem>>, vector<16xf32>,
      %add3A_15 = arith.constant 16 : i32
      %add3A_16 = arith.addi %mul3A_8, %add3A_15 : i32
      %get3A_17 = arith.index_cast %add3A_16 : i32 to index
      %get3A_18 = tpu.vector_load %arg6[%get3A_17] {strides = array<i32>} : memref<20480xi32, #tpu.memory_space<vmem>>, vector<16xi32>,
      %gather3A_19 = tpu.vector_load_idx %arg5[%get3A_18] : memref<41024xf32, #tpu.memory_space<vmem>>[vector<16xi32>], vector<16xf32>,
      %add3A_20 = arith.constant 16 : i32
      %add3A_21 = arith.addi %mul3A_8, %add3A_20 : i32
      %swap3A_22 = arith.index_cast %add3A_21 : i32 to index
      %swap3A_23 = tpu.vector_load %arg7[%swap3A_22] {strides = array<i32>} : memref<20480xf32, #tpu.memory_space<vmem>>, vector<16xf32>,
      tpu.vector_store %arg7[%swap3A_22], %gather3A_19 {strides = array<i32>} : memref<20480xf32, #tpu.memory_space<vmem>>, vector<16xf32>,
      %add3A_24 = arith.constant 32 : i32
      %add3A_25 = arith.addi %mul3A_8, %add3A_24 : i32
      %get3A_26 = arith.index_cast %add3A_25 : i32 to index
      %get3A_27 = tpu.vector_load %arg6[%get3A_26] {strides = array<i32>} : memref<20480xi32, #tpu.memory_space<vmem>>, vector<16xi32>,
      %gather3A_28 = tpu.vector_load_idx %arg5[%get3A_27] : memref<41024xf32, #tpu.memory_space<vmem>>[vector<16xi32>], vector<16xf32>,
      %add3A_29 = arith.constant 32 : i32
      %add3A_30 = arith.addi %mul3A_8, %add3A_29 : i32
      %swap3A_31 = arith.index_cast %add3A_30 : i32 to index
      %swap3A_32 = tpu.vector_load %arg7[%swap3A_31] {strides = array<i32>} : memref<20480xf32, #tpu.memory_space<vmem>>, vector<16xf32>,
      tpu.vector_store %arg7[%swap3A_31], %gather3A_28 {strides = array<i32>} : memref<20480xf32, #tpu.memory_space<vmem>>, vector<16xf32>,
      %add3A_33 = arith.constant 48 : i32
      %add3A_34 = arith.addi %mul3A_8, %add3A_33 : i32
      %get3A_35 = arith.index_cast %add3A_34 : i32 to index
      %get3A_36 = tpu.vector_load %arg6[%get3A_35] {strides = array<i32>} : memref<20480xi32, #tpu.memory_space<vmem>>, vector<16xi32>,
      %gather3A_37 = tpu.vector_load_idx %arg5[%get3A_36] : memref<41024xf32, #tpu.memory_space<vmem>>[vector<16xi32>], vector<16xf32>,
      %add3A_38 = arith.constant 48 : i32
      %add3A_39 = arith.addi %mul3A_8, %add3A_38 : i32
      %swap3A_40 = arith.index_cast %add3A_39 : i32 to index
      %swap3A_41 = tpu.vector_load %arg7[%swap3A_40] {strides = array<i32>} : memref<20480xf32, #tpu.memory_space<vmem>>, vector<16xf32>,
      tpu.vector_store %arg7[%swap3A_40], %gather3A_37 {strides = array<i32>} : memref<20480xf32, #tpu.memory_space<vmem>>, vector<16xf32>,
      %add3A_42 = arith.constant 64 : i32
      %add3A_43 = arith.addi %mul3A_8, %add3A_42 : i32
      %get3A_44 = arith.index_cast %add3A_43 : i32 to index
      %get3A_45 = tpu.vector_load %arg6[%get3A_44] {strides = array<i32>} : memref<20480xi32, #tpu.memory_space<vmem>>, vector<16xi32>,
      %gather3A_46 = tpu.vector_load_idx %arg5[%get3A_45] : memref<41024xf32, #tpu.memory_space<vmem>>[vector<16xi32>], vector<16xf32>,
      %add3A_47 = arith.constant 64 : i32
      %add3A_48 = arith.addi %mul3A_8, %add3A_47 : i32
      %swap3A_49 = arith.index_cast %add3A_48 : i32 to index
      %swap3A_50 = tpu.vector_load %arg7[%swap3A_49] {strides = array<i32>} : memref<20480xf32, #tpu.memory_space<vmem>>, vector<16xf32>,
      tpu.vector_store %arg7[%swap3A_49], %gather3A_46 {strides = array<i32>} : memref<20480xf32, #tpu.memory_space<vmem>>, vector<16xf32>,
      %add3A_51 = arith.constant 80 : i32
      %add3A_52 = arith.addi %mul3A_8, %add3A_51 : i32
      %get3A_53 = arith.index_cast %add3A_52 : i32 to index
      %get3A_54 = tpu.vector_load %arg6[%get3A_53] {strides = array<i32>} : memref<20480xi32, #tpu.memory_space<vmem>>, vector<16xi32>,
      %gather3A_55 = tpu.vector_load_idx %arg5[%get3A_54] : memref<41024xf32, #tpu.memory_space<vmem>>[vector<16xi32>], vector<16xf32>,
      %add3A_56 = arith.constant 80 : i32
      %add3A_57 = arith.addi %mul3A_8, %add3A_56 : i32
      %swap3A_58 = arith.index_cast %add3A_57 : i32 to index
      %swap3A_59 = tpu.vector_load %arg7[%swap3A_58] {strides = array<i32>} : memref<20480xf32, #tpu.memory_space<vmem>>, vector<16xf32>,
      tpu.vector_store %arg7[%swap3A_58], %gather3A_55 {strides = array<i32>} : memref<20480xf32, #tpu.memory_space<vmem>>, vector<16xf32>,
      %add3A_60 = arith.constant 96 : i32
      %add3A_61 = arith.addi %mul3A_8, %add3A_60 : i32
      %get3A_62 = arith.index_cast %add3A_61 : i32 to index
      %get3A_63 = tpu.vector_load %arg6[%get3A_62] {strides = array<i32>} : memref<20480xi32, #tpu.memory_space<vmem>>, vector<16xi32>,
      %gather3A_64 = tpu.vector_load_idx %arg5[%get3A_63] : memref<41024xf32, #tpu.memory_space<vmem>>[vector<16xi32>], vector<16xf32>,
      %add3A_65 = arith.constant 96 : i32
      %add3A_66 = arith.addi %mul3A_8, %add3A_65 : i32
      %swap3A_67 = arith.index_cast %add3A_66 : i32 to index
      %swap3A_68 = tpu.vector_load %arg7[%swap3A_67] {strides = array<i32>} : memref<20480xf32, #tpu.memory_space<vmem>>, vector<16xf32>,
      tpu.vector_store %arg7[%swap3A_67], %gather3A_64 {strides = array<i32>} : memref<20480xf32, #tpu.memory_space<vmem>>, vector<16xf32>,
      %add3A_69 = arith.constant 112 : i32
      %add3A_70 = arith.addi %mul3A_8, %add3A_69 : i32
      %get3A_71 = arith.index_cast %add3A_70 : i32 to index
      %get3A_72 = tpu.vector_load %arg6[%get3A_71] {strides = array<i32>} : memref<20480xi32, #tpu.memory_space<vmem>>, vector<16xi32>,
      %gather3A_73 = tpu.vector_load_idx %arg5[%get3A_72] : memref<41024xf32, #tpu.memory_space<vmem>>[vector<16xi32>], vector<16xf32>,
      %add3A_74 = arith.constant 112 : i32
      %add3A_75 = arith.addi %mul3A_8, %add3A_74 : i32
      %swap3A_76 = arith.index_cast %add3A_75 : i32 to index
      %swap3A_77 = tpu.vector_load %arg7[%swap3A_76] {strides = array<i32>} : memref<20480xf32, #tpu.memory_space<vmem>>, vector<16xf32>,
      tpu.vector_store %arg7[%swap3A_76], %gather3A_73 {strides = array<i32>} : memref<20480xf32, #tpu.memory_space<vmem>>, vector<16xf32>,
    }
    %scan3A_5 = arith.constant 160 : i32
    "tpu.region"() ({
      %run_scoped3A = tpu.sem_alloc : memref<!tpu.dma_semaphore, #tpu.memory_space<semaphore_mem>>
      %dma_start3A = arith.constant 0 : i32
      %dma_start3A_6 = tpu.memref_slice %arg4[%add3A, %dma_start3A] : memref<32x20480xf32, #tpu.memory_space<hbm>> -> memref<1x20480xf32, #tpu.memory_space<hbm>>
      %dma_start3A_7 = tpu.memref_squeeze %dma_start3A_6 : memref<1x20480xf32, #tpu.memory_space<hbm>> -> memref<20480xf32, #tpu.memory_space<hbm>>
      %dma_start3A_8 = arith.constant 0 : i32
      %dma_start3A_9 = tpu.memref_slice %arg4[%add3A, %dma_start3A_8] : memref<32x20480xf32, #tpu.memory_space<hbm>> -> memref<1x20480xf32, #tpu.memory_space<hbm>>
      %dma_start3A_10 = tpu.memref_squeeze %dma_start3A_9 : memref<1x20480xf32, #tpu.memory_space<hbm>> -> memref<20480xf32, #tpu.memory_space<hbm>>
      tpu.enqueue_dma source(%arg7 : memref<20480xf32, #tpu.memory_space<vmem>>) target(%dma_start3A_10 : memref<20480xf32, #tpu.memory_space<hbm>>) target_semaphore(%run_scoped3A : memref<!tpu.dma_semaphore, #tpu.memory_space<semaphore_mem>>)
      %dma_wait3A = arith.constant 0 : i32
      %dma_wait3A_11 = tpu.memref_slice %arg4[%add3A, %dma_wait3A] : memref<32x20480xf32, #tpu.memory_space<hbm>> -> memref<1x20480xf32, #tpu.memory_space<hbm>>
      %dma_wait3A_12 = tpu.memref_squeeze %dma_wait3A_11 : memref<1x20480xf32, #tpu.memory_space<hbm>> -> memref<20480xf32, #tpu.memory_space<hbm>>
      %dma_wait3A_13 = arith.constant 0 : i32
      %dma_wait3A_14 = tpu.memref_slice %arg4[%add3A, %dma_wait3A_13] : memref<32x20480xf32, #tpu.memory_space<hbm>> -> memref<1x20480xf32, #tpu.memory_space<hbm>>
      %dma_wait3A_15 = tpu.memref_squeeze %dma_wait3A_14 : memref<1x20480xf32, #tpu.memory_space<hbm>> -> memref<20480xf32, #tpu.memory_space<hbm>>
      tpu.wait_dma2 semaphore(%run_scoped3A : memref<!tpu.dma_semaphore, #tpu.memory_space<semaphore_mem>>) src(%arg7 : memref<20480xf32, #tpu.memory_space<vmem>>) dst(%dma_wait3A_15 : memref<20480xf32, #tpu.memory_space<hbm>>)
      tpu.yield
    }) : () -> ()
    return
  }
}

module attributes {stable_mosaic.version = 14 : i64} {
  func.func @_nms_body(%arg0: i32, %arg1: memref<1xi32, #tpu.memory_space<smem>>, %arg2: memref<512x8xf32, #tpu.memory_space<vmem>>, %arg3: memref<8x5120xf32, #tpu.memory_space<vmem>>, %arg4: memref<512x8xf32, #tpu.memory_space<vmem>>, %arg5: memref<512x16xi32, #tpu.memory_space<vmem>>, %arg6: memref<512x512xi32, #tpu.memory_space<vmem>>, %arg7: memref<512x1xf32, #tpu.memory_space<vmem>>, %arg8: memref<512x1xi32, #tpu.memory_space<vmem>>, %arg9: memref<512x16xi32, #tpu.memory_space<vmem>>) attributes {dimension_semantics = [#tpu.dimension_semantics<arbitrary>], iteration_bounds = array<i64: 10>, scalar_prefetch = 1 : i64, scratch_operands = 4 : i64, tpu.core_type = #tpu.core_type<tc>, window_params = [{transform_indices = @transform_0, window_bounds = array<i64: 512, 8>}, {pipeline_mode = #tpu.pipeline_mode<synchronous>, transform_indices = @transform_1, window_bounds = array<i64: 8, 5120>}, {transform_indices = @transform_2, window_bounds = array<i64: 512, 8>}, {transform_indices = @transform_3, window_bounds = array<i64: 512, 16>}]} {
    %get3A = arith.constant 0 : index
    %get3A_0 = arith.constant 0 : index
    %get3A_1 = vector.load %arg2[%get3A, %get3A_0] : memref<512x8xf32, #tpu.memory_space<vmem>>, vector<512x8xf32>
    %slice3A = vector.extract_strided_slice %get3A_1 {offsets = [0, 0], sizes = [512, 1], strides = [1, 1]} : vector<512x8xf32> to vector<512x1xf32>
    %slice3A_2 = vector.extract_strided_slice %get3A_1 {offsets = [0, 2], sizes = [512, 1], strides = [1, 1]} : vector<512x8xf32> to vector<512x1xf32>
    %mul3A = arith.constant 5.000000e-01 : f32
    %mul3A_3 = vector.broadcast %mul3A : f32 to vector<512x1xf32>
    %mul3A_4 = arith.mulf %slice3A_2, %mul3A_3 : vector<512x1xf32>
    %sub3A = arith.subf %slice3A, %mul3A_4 : vector<512x1xf32>
    %slice3A_5 = vector.extract_strided_slice %get3A_1 {offsets = [0, 0], sizes = [512, 1], strides = [1, 1]} : vector<512x8xf32> to vector<512x1xf32>
    %slice3A_6 = vector.extract_strided_slice %get3A_1 {offsets = [0, 2], sizes = [512, 1], strides = [1, 1]} : vector<512x8xf32> to vector<512x1xf32>
    %mul3A_7 = arith.constant 5.000000e-01 : f32
    %mul3A_8 = vector.broadcast %mul3A_7 : f32 to vector<512x1xf32>
    %mul3A_9 = arith.mulf %slice3A_6, %mul3A_8 : vector<512x1xf32>
    %add3A = arith.addf %slice3A_5, %mul3A_9 : vector<512x1xf32>
    %slice3A_10 = vector.extract_strided_slice %get3A_1 {offsets = [0, 1], sizes = [512, 1], strides = [1, 1]} : vector<512x8xf32> to vector<512x1xf32>
    %slice3A_11 = vector.extract_strided_slice %get3A_1 {offsets = [0, 3], sizes = [512, 1], strides = [1, 1]} : vector<512x8xf32> to vector<512x1xf32>
    %mul3A_12 = arith.constant 5.000000e-01 : f32
    %mul3A_13 = vector.broadcast %mul3A_12 : f32 to vector<512x1xf32>
    %mul3A_14 = arith.mulf %slice3A_11, %mul3A_13 : vector<512x1xf32>
    %sub3A_15 = arith.subf %slice3A_10, %mul3A_14 : vector<512x1xf32>
    %slice3A_16 = vector.extract_strided_slice %get3A_1 {offsets = [0, 1], sizes = [512, 1], strides = [1, 1]} : vector<512x8xf32> to vector<512x1xf32>
    %slice3A_17 = vector.extract_strided_slice %get3A_1 {offsets = [0, 3], sizes = [512, 1], strides = [1, 1]} : vector<512x8xf32> to vector<512x1xf32>
    %mul3A_18 = arith.constant 5.000000e-01 : f32
    %mul3A_19 = vector.broadcast %mul3A_18 : f32 to vector<512x1xf32>
    %mul3A_20 = arith.mulf %slice3A_17, %mul3A_19 : vector<512x1xf32>
    %add3A_21 = arith.addf %slice3A_16, %mul3A_20 : vector<512x1xf32>
    %slice3A_22 = vector.extract_strided_slice %get3A_1 {offsets = [0, 2], sizes = [512, 1], strides = [1, 1]} : vector<512x8xf32> to vector<512x1xf32>
    %slice3A_23 = vector.extract_strided_slice %get3A_1 {offsets = [0, 3], sizes = [512, 1], strides = [1, 1]} : vector<512x8xf32> to vector<512x1xf32>
    %mul3A_24 = arith.mulf %slice3A_22, %slice3A_23 : vector<512x1xf32>
    %slice3A_25 = vector.extract_strided_slice %get3A_1 {offsets = [0, 4], sizes = [512, 1], strides = [1, 1]} : vector<512x8xf32> to vector<512x1xf32>
    %slice3A_26 = vector.extract_strided_slice %get3A_1 {offsets = [0, 5], sizes = [512, 1], strides = [1, 1]} : vector<512x8xf32> to vector<512x1xf32>
    %gt3A = arith.constant 2.000000e-01 : f32
    %gt3A_27 = vector.broadcast %gt3A : f32 to vector<512x1xf32>
    %gt3A_28 = arith.cmpf ogt, %slice3A_26, %gt3A_27 : vector<512x1xf32>
    %mul3A_29 = arith.constant 512 : i32
    %mul3A_30 = arith.muli %arg0, %mul3A_29 : i32
    %iota3A = tpu.iota {dimensions = array<i32: 0>} : vector<512x1xi32>
    %add3A_31 = vector.broadcast %mul3A_30 : i32 to vector<512x1xi32>
    %add3A_32 = arith.addi %add3A_31, %iota3A : vector<512x1xi32>
    %iota3A_33 = tpu.iota {dimensions = array<i32: 1>} : vector<512x16xi32>
    %broadcast_in_dim3A = arith.constant 0.000000e+00 : f32
    %broadcast_in_dim3A_34 = vector.broadcast %broadcast_in_dim3A : f32 to vector<512x1xf32>
    %swap3A = arith.constant 0 : index
    %swap3A_35 = arith.constant 0 : index
    %swap3A_36 = vector.load %arg7[%swap3A, %swap3A_35] : memref<512x1xf32, #tpu.memory_space<vmem>>, vector<512x1xf32>
    tpu.vector_store %arg7[%swap3A, %swap3A_35], %broadcast_in_dim3A_34 {strides = array<i32>} : memref<512x1xf32, #tpu.memory_space<vmem>>, vector<512x1xf32>,
    %broadcast_in_dim3A_37 = arith.constant 0 : i32
    %broadcast_in_dim3A_38 = vector.broadcast %broadcast_in_dim3A_37 : i32 to vector<512x1xi32>
    %swap3A_39 = arith.constant 0 : index
    %swap3A_40 = arith.constant 0 : index
    %swap3A_41 = vector.load %arg8[%swap3A_39, %swap3A_40] : memref<512x1xi32, #tpu.memory_space<vmem>>, vector<512x1xi32>
    tpu.vector_store %arg8[%swap3A_39, %swap3A_40], %broadcast_in_dim3A_38 {strides = array<i32>} : memref<512x1xi32, #tpu.memory_space<vmem>>, vector<512x1xi32>,
    %broadcast_in_dim3A_42 = arith.constant 5120 : i32
    %broadcast_in_dim3A_43 = vector.broadcast %broadcast_in_dim3A_42 : i32 to vector<512x16xi32>
    %swap3A_44 = arith.constant 0 : index
    %swap3A_45 = arith.constant 0 : index
    %swap3A_46 = vector.load %arg9[%swap3A_44, %swap3A_45] : memref<512x16xi32, #tpu.memory_space<vmem>>, vector<512x16xi32>
    tpu.vector_store %arg9[%swap3A_44, %swap3A_45], %broadcast_in_dim3A_43 {strides = array<i32>} : memref<512x16xi32, #tpu.memory_space<vmem>>, vector<512x16xi32>,
    %get3A_47 = arith.constant 0 : index
    %get3A_48 = memref.load %arg1[%get3A_47] : memref<1xi32, #tpu.memory_space<smem>>
    %mul3A_49 = arith.constant 512 : i32
    %mul3A_50 = arith.muli %arg0, %mul3A_49 : i32
    %ge3A = arith.cmpi sge, %mul3A_50, %get3A_48 : i32
    %add3A_51 = arith.constant 511 : i32
    %add3A_52 = arith.addi %get3A_48, %add3A_51 : i32
    %jit3A = arith.constant 512 : i32
    %div3A = arith.divsi %add3A_52, %jit3A : i32
    %sign3A = arith.constant 0 : i32
    %sign3A_53 = arith.cmpi sgt, %add3A_52, %sign3A : i32
    %sign3A_54 = arith.extui %sign3A_53 : i1 to i32
    %sign3A_55 = arith.constant 0 : i32
    %sign3A_56 = arith.cmpi slt, %add3A_52, %sign3A_55 : i32
    %sign3A_57 = arith.extui %sign3A_56 : i1 to i32
    %sign3A_58 = arith.subi %sign3A_54, %sign3A_57 : i32
    %sign3A_59 = arith.constant 0 : i32
    %sign3A_60 = arith.cmpi sgt, %jit3A, %sign3A_59 : i32
    %sign3A_61 = arith.extui %sign3A_60 : i1 to i32
    %sign3A_62 = arith.constant 0 : i32
    %sign3A_63 = arith.cmpi slt, %jit3A, %sign3A_62 : i32
    %sign3A_64 = arith.extui %sign3A_63 : i1 to i32
    %sign3A_65 = arith.subi %sign3A_61, %sign3A_64 : i32
    %ne3A = arith.cmpi ne, %sign3A_58, %sign3A_65 : i32
    %rem3A = arith.remsi %add3A_52, %jit3A : i32
    %ne3A_66 = arith.constant 0 : i32
    %ne3A_67 = arith.cmpi ne, %rem3A, %ne3A_66 : i32
    %and3A = arith.andi %ne3A, %ne3A_67 : i1
    %sub3A_68 = arith.constant 1 : i32
    %sub3A_69 = arith.subi %div3A, %sub3A_68 : i32
    %select_n3A = arith.select %and3A, %sub3A_69, %div3A : i32
    %jit3A_70 = arith.constant 0 : i32
    %select_n3A_71 = arith.select %ge3A, %jit3A_70, %select_n3A : i32
    %mul3A_72 = arith.constant 512 : i32
    %mul3A_73 = arith.muli %arg0, %mul3A_72 : i32
    %jit3A_74 = arith.constant 512 : i32
    %div3A_75 = arith.divsi %mul3A_73, %jit3A_74 : i32
    %sign3A_76 = arith.constant 0 : i32
    %sign3A_77 = arith.cmpi sgt, %mul3A_73, %sign3A_76 : i32
    %sign3A_78 = arith.extui %sign3A_77 : i1 to i32
    %sign3A_79 = arith.constant 0 : i32
    %sign3A_80 = arith.cmpi slt, %mul3A_73, %sign3A_79 : i32
    %sign3A_81 = arith.extui %sign3A_80 : i1 to i32
    %sign3A_82 = arith.subi %sign3A_78, %sign3A_81 : i32
    %sign3A_83 = arith.constant 0 : i32
    %sign3A_84 = arith.cmpi sgt, %jit3A_74, %sign3A_83 : i32
    %sign3A_85 = arith.extui %sign3A_84 : i1 to i32
    %sign3A_86 = arith.constant 0 : i32
    %sign3A_87 = arith.cmpi slt, %jit3A_74, %sign3A_86 : i32
    %sign3A_88 = arith.extui %sign3A_87 : i1 to i32
    %sign3A_89 = arith.subi %sign3A_85, %sign3A_88 : i32
    %ne3A_90 = arith.cmpi ne, %sign3A_82, %sign3A_89 : i32
    %rem3A_91 = arith.remsi %mul3A_73, %jit3A_74 : i32
    %ne3A_92 = arith.constant 0 : i32
    %ne3A_93 = arith.cmpi ne, %rem3A_91, %ne3A_92 : i32
    %and3A_94 = arith.andi %ne3A_90, %ne3A_93 : i1
    %sub3A_95 = arith.constant 1 : i32
    %sub3A_96 = arith.subi %div3A_75, %sub3A_95 : i32
    %select_n3A_97 = arith.select %and3A_94, %sub3A_96, %div3A_75 : i32
    %min3A = arith.minsi %select_n3A_71, %select_n3A_97 : i32
    %add3A_98 = arith.constant 1 : i32
    %add3A_99 = arith.addi %arg0, %add3A_98 : i32
    %mul3A_100 = arith.constant 512 : i32
    %mul3A_101 = arith.muli %add3A_99, %mul3A_100 : i32
    %add3A_102 = arith.constant 512 : i32
    %add3A_103 = arith.addi %mul3A_101, %add3A_102 : i32
    %sub3A_104 = arith.constant 1 : i32
    %sub3A_105 = arith.subi %add3A_103, %sub3A_104 : i32
    %jit3A_106 = arith.constant 512 : i32
    %div3A_107 = arith.divsi %sub3A_105, %jit3A_106 : i32
    %sign3A_108 = arith.constant 0 : i32
    %sign3A_109 = arith.cmpi sgt, %sub3A_105, %sign3A_108 : i32
    %sign3A_110 = arith.extui %sign3A_109 : i1 to i32
    %sign3A_111 = arith.constant 0 : i32
    %sign3A_112 = arith.cmpi slt, %sub3A_105, %sign3A_111 : i32
    %sign3A_113 = arith.extui %sign3A_112 : i1 to i32
    %sign3A_114 = arith.subi %sign3A_110, %sign3A_113 : i32
    %sign3A_115 = arith.constant 0 : i32
    %sign3A_116 = arith.cmpi sgt, %jit3A_106, %sign3A_115 : i32
    %sign3A_117 = arith.extui %sign3A_116 : i1 to i32
    %sign3A_118 = arith.constant 0 : i32
    %sign3A_119 = arith.cmpi slt, %jit3A_106, %sign3A_118 : i32
    %sign3A_120 = arith.extui %sign3A_119 : i1 to i32
    %sign3A_121 = arith.subi %sign3A_117, %sign3A_120 : i32
    %ne3A_122 = arith.cmpi ne, %sign3A_114, %sign3A_121 : i32
    %rem3A_123 = arith.remsi %sub3A_105, %jit3A_106 : i32
    %ne3A_124 = arith.constant 0 : i32
    %ne3A_125 = arith.cmpi ne, %rem3A_123, %ne3A_124 : i32
    %and3A_126 = arith.andi %ne3A_122, %ne3A_125 : i1
    %sub3A_127 = arith.constant 1 : i32
    %sub3A_128 = arith.subi %div3A_107, %sub3A_127 : i32
    %select_n3A_129 = arith.select %and3A_126, %sub3A_128, %div3A_107 : i32
    %min3A_130 = arith.minsi %select_n3A_71, %select_n3A_129 : i32
    %while3A = arith.constant 0 : i32
    %while3A_131 = arith.constant 0 : i32
    %while3A_132 = arith.subi %min3A, %while3A_131 : i32
    %while3A_133 = arith.addi %while3A_131, %while3A_132 : i32
    %while3A_134 = arith.constant 1 : i32
    %while3A_135 = arith.divsi %while3A_132, %while3A_134 : i32
    %while3A_136 = arith.muli %while3A_135, %while3A_134 : i32
    %while3A_137 = arith.addi %while3A_131, %while3A_136 : i32
    %while3A_138 = arith.constant 1 : i32
    scf.for %while3A_182 = %while3A_131 to %while3A_137 step %while3A_138  : i32 {
      %mul3A_183 = arith.constant 512 : i32
      %mul3A_184 = arith.muli %while3A_182, %mul3A_183 : i32
      %multiple_of3A = tpu.assume_multiple %mul3A_184, 512 : i32
      %get3A_185 = arith.constant 0 : index
      %get3A_186 = arith.index_cast %multiple_of3A : i32 to index
      %get3A_187 = vector.load %arg3[%get3A_185, %get3A_186] : memref<8x5120xf32, #tpu.memory_space<vmem>>, vector<8x512xf32>
      %slice3A_188 = vector.extract_strided_slice %get3A_187 {offsets = [0, 0], sizes = [1, 512], strides = [1, 1]} : vector<8x512xf32> to vector<1x512xf32>
      %slice3A_189 = vector.extract_strided_slice %get3A_187 {offsets = [2, 0], sizes = [1, 512], strides = [1, 1]} : vector<8x512xf32> to vector<1x512xf32>
      %mul3A_190 = arith.constant 5.000000e-01 : f32
      %mul3A_191 = vector.broadcast %mul3A_190 : f32 to vector<1x512xf32>
      %mul3A_192 = arith.mulf %slice3A_189, %mul3A_191 : vector<1x512xf32>
      %sub3A_193 = arith.subf %slice3A_188, %mul3A_192 : vector<1x512xf32>
      %slice3A_194 = vector.extract_strided_slice %get3A_187 {offsets = [0, 0], sizes = [1, 512], strides = [1, 1]} : vector<8x512xf32> to vector<1x512xf32>
      %slice3A_195 = vector.extract_strided_slice %get3A_187 {offsets = [2, 0], sizes = [1, 512], strides = [1, 1]} : vector<8x512xf32> to vector<1x512xf32>
      %mul3A_196 = arith.constant 5.000000e-01 : f32
      %mul3A_197 = vector.broadcast %mul3A_196 : f32 to vector<1x512xf32>
      %mul3A_198 = arith.mulf %slice3A_195, %mul3A_197 : vector<1x512xf32>
      %add3A_199 = arith.addf %slice3A_194, %mul3A_198 : vector<1x512xf32>
      %slice3A_200 = vector.extract_strided_slice %get3A_187 {offsets = [1, 0], sizes = [1, 512], strides = [1, 1]} : vector<8x512xf32> to vector<1x512xf32>
      %slice3A_201 = vector.extract_strided_slice %get3A_187 {offsets = [3, 0], sizes = [1, 512], strides = [1, 1]} : vector<8x512xf32> to vector<1x512xf32>
      %mul3A_202 = arith.constant 5.000000e-01 : f32
      %mul3A_203 = vector.broadcast %mul3A_202 : f32 to vector<1x512xf32>
      %mul3A_204 = arith.mulf %slice3A_201, %mul3A_203 : vector<1x512xf32>
      %sub3A_205 = arith.subf %slice3A_200, %mul3A_204 : vector<1x512xf32>
      %slice3A_206 = vector.extract_strided_slice %get3A_187 {offsets = [1, 0], sizes = [1, 512], strides = [1, 1]} : vector<8x512xf32> to vector<1x512xf32>
      %slice3A_207 = vector.extract_strided_slice %get3A_187 {offsets = [3, 0], sizes = [1, 512], strides = [1, 1]} : vector<8x512xf32> to vector<1x512xf32>
      %mul3A_208 = arith.constant 5.000000e-01 : f32
      %mul3A_209 = vector.broadcast %mul3A_208 : f32 to vector<1x512xf32>
      %mul3A_210 = arith.mulf %slice3A_207, %mul3A_209 : vector<1x512xf32>
      %add3A_211 = arith.addf %slice3A_206, %mul3A_210 : vector<1x512xf32>
      %slice3A_212 = vector.extract_strided_slice %get3A_187 {offsets = [2, 0], sizes = [1, 512], strides = [1, 1]} : vector<8x512xf32> to vector<1x512xf32>
      %slice3A_213 = vector.extract_strided_slice %get3A_187 {offsets = [3, 0], sizes = [1, 512], strides = [1, 1]} : vector<8x512xf32> to vector<1x512xf32>
      %mul3A_214 = arith.mulf %slice3A_212, %slice3A_213 : vector<1x512xf32>
      %slice3A_215 = vector.extract_strided_slice %get3A_187 {offsets = [5, 0], sizes = [1, 512], strides = [1, 1]} : vector<8x512xf32> to vector<1x512xf32>
      %gt3A_216 = arith.constant 2.000000e-01 : f32
      %gt3A_217 = vector.broadcast %gt3A_216 : f32 to vector<1x512xf32>
      %gt3A_218 = arith.cmpf ogt, %slice3A_215, %gt3A_217 : vector<1x512xf32>
      %slice3A_219 = vector.extract_strided_slice %get3A_187 {offsets = [4, 0], sizes = [1, 512], strides = [1, 1]} : vector<8x512xf32> to vector<1x512xf32>
      %jit3A_220 = arith.constant -2.000000e+00 : f32
      %broadcast_in_dim3A_221 = vector.broadcast %jit3A_220 : f32 to vector<1x512xf32>
      %select_n3A_222 = arith.select %gt3A_218, %slice3A_219, %broadcast_in_dim3A_221 : vector<1x512xi1>, vector<1x512xf32>
      %min3A_223 = vector.broadcast %add3A : vector<512x1xf32> to vector<512x512xf32>
      %min3A_224 = vector.broadcast %add3A_199 : vector<1x512xf32> to vector<512x512xf32>
      %min3A_225 = arith.minimumf %min3A_223, %min3A_224 : vector<512x512xf32>
      %max3A = vector.broadcast %sub3A : vector<512x1xf32> to vector<512x512xf32>
      %max3A_226 = vector.broadcast %sub3A_193 : vector<1x512xf32> to vector<512x512xf32>
      %max3A_227 = arith.maximumf %max3A, %max3A_226 : vector<512x512xf32>
      %sub3A_228 = arith.subf %min3A_225, %max3A_227 : vector<512x512xf32>
      %jit3A_229 = arith.constant 0.000000e+00 : f32
      %max3A_230 = vector.broadcast %jit3A_229 : f32 to vector<512x512xf32>
      %max3A_231 = arith.maximumf %max3A_230, %sub3A_228 : vector<512x512xf32>
      %min3A_232 = vector.broadcast %add3A_21 : vector<512x1xf32> to vector<512x512xf32>
      %min3A_233 = vector.broadcast %add3A_211 : vector<1x512xf32> to vector<512x512xf32>
      %min3A_234 = arith.minimumf %min3A_232, %min3A_233 : vector<512x512xf32>
      %max3A_235 = vector.broadcast %sub3A_15 : vector<512x1xf32> to vector<512x512xf32>
      %max3A_236 = vector.broadcast %sub3A_205 : vector<1x512xf32> to vector<512x512xf32>
      %max3A_237 = arith.maximumf %max3A_235, %max3A_236 : vector<512x512xf32>
      %sub3A_238 = arith.subf %min3A_234, %max3A_237 : vector<512x512xf32>
      %jit3A_239 = arith.constant 0.000000e+00 : f32
      %max3A_240 = vector.broadcast %jit3A_239 : f32 to vector<512x512xf32>
      %max3A_241 = arith.maximumf %max3A_240, %sub3A_238 : vector<512x512xf32>
      %mul3A_242 = arith.mulf %max3A_231, %max3A_241 : vector<512x512xf32>
      %add3A_243 = vector.broadcast %mul3A_24 : vector<512x1xf32> to vector<512x512xf32>
      %add3A_244 = vector.broadcast %mul3A_214 : vector<1x512xf32> to vector<512x512xf32>
      %add3A_245 = arith.addf %add3A_243, %add3A_244 : vector<512x512xf32>
      %sub3A_246 = arith.subf %add3A_245, %mul3A_242 : vector<512x512xf32>
      %jit3A_247 = arith.constant 9.99999997E-7 : f32
      %max3A_248 = vector.broadcast %jit3A_247 : f32 to vector<512x512xf32>
      %max3A_249 = arith.maximumf %max3A_248, %sub3A_246 : vector<512x512xf32>
      %div3A_250 = arith.divf %mul3A_242, %max3A_249 : vector<512x512xf32>
      %gt3A_251 = arith.constant 3.000000e-01 : f32
      %gt3A_252 = vector.broadcast %gt3A_251 : f32 to vector<512x512xf32>
      %gt3A_253 = arith.cmpf ogt, %div3A_250, %gt3A_252 : vector<512x512xf32>
      %eq3A = vector.broadcast %slice3A_25 : vector<512x1xf32> to vector<512x512xf32>
      %eq3A_254 = vector.broadcast %select_n3A_222 : vector<1x512xf32> to vector<512x512xf32>
      %eq3A_255 = arith.cmpf oeq, %eq3A, %eq3A_254 : vector<512x512xf32>
      %and3A_256 = arith.andi %gt3A_253, %eq3A_255 : vector<512x512xi1>
      %iota3A_257 = tpu.iota {dimensions = array<i32: 1>} : vector<1x512xi32>
      %add3A_258 = vector.broadcast %multiple_of3A : i32 to vector<1x512xi32>
      %add3A_259 = arith.addi %add3A_258, %iota3A_257 : vector<1x512xi32>
      %reduce_or3A = arith.constant 1.000000e+00 : f32
      %reduce_or3A_260 = arith.constant 0.000000e+00 : f32
      %reduce_or3A_261 = vector.broadcast %reduce_or3A : f32 to vector<512x512xf32>
      %reduce_or3A_262 = vector.broadcast %reduce_or3A_260 : f32 to vector<512x512xf32>
      %reduce_or3A_263 = arith.select %and3A_256, %reduce_or3A_261, %reduce_or3A_262 : vector<512x512xi1>, vector<512x512xf32>
      %reduce_or3A_264 = arith.constant dense<0xFF800000> : vector<512xf32>
      %reduce_or3A_265 = vector.multi_reduction <maximumf>, %reduce_or3A_263, %reduce_or3A_264 [1] : vector<512x512xf32> to vector<512xf32>
      %reduce_or3A_266 = arith.constant 0.000000e+00 : f32
      %reduce_or3A_267 = vector.broadcast %reduce_or3A_266 : f32 to vector<512xf32>
      %reduce_or3A_268 = arith.cmpf ogt, %reduce_or3A_265, %reduce_or3A_267 : vector<512xf32>
      %broadcast_in_dim3A_269 = vector.shape_cast %reduce_or3A_268 : vector<512xi1> to vector<512x1xi1>
      %get3A_270 = arith.constant 0 : index
      %get3A_271 = arith.constant 0 : index
      %get3A_272 = vector.load %arg7[%get3A_270, %get3A_271] : memref<512x1xf32, #tpu.memory_space<vmem>>, vector<512x1xf32>
      %convert_element_type3A_273 = arith.extui %broadcast_in_dim3A_269 : vector<512x1xi1> to vector<512x1xi32>
      %convert_element_type3A_274 = arith.sitofp %convert_element_type3A_273 : vector<512x1xi32> to vector<512x1xf32>
      %max3A_275 = arith.maximumf %get3A_272, %convert_element_type3A_274 : vector<512x1xf32>
      %swap3A_276 = arith.constant 0 : index
      %swap3A_277 = arith.constant 0 : index
      %swap3A_278 = vector.load %arg7[%swap3A_276, %swap3A_277] : memref<512x1xf32, #tpu.memory_space<vmem>>, vector<512x1xf32>
      tpu.vector_store %arg7[%swap3A_276, %swap3A_277], %max3A_275 {strides = array<i32>} : memref<512x1xf32, #tpu.memory_space<vmem>>, vector<512x1xf32>,
    }
    %while3A_139 = arith.constant 1 : i32
    scf.for %while3A_182 = %while3A_137 to %while3A_133 step %while3A_139  : i32 {
      %mul3A_183 = arith.constant 512 : i32
      %mul3A_184 = arith.muli %while3A_182, %mul3A_183 : i32
      %multiple_of3A = tpu.assume_multiple %mul3A_184, 512 : i32
      %get3A_185 = arith.constant 0 : index
      %get3A_186 = arith.index_cast %multiple_of3A : i32 to index
      %get3A_187 = vector.load %arg3[%get3A_185, %get3A_186] : memref<8x5120xf32, #tpu.memory_space<vmem>>, vector<8x512xf32>
      %slice3A_188 = vector.extract_strided_slice %get3A_187 {offsets = [0, 0], sizes = [1, 512], strides = [1, 1]} : vector<8x512xf32> to vector<1x512xf32>
      %slice3A_189 = vector.extract_strided_slice %get3A_187 {offsets = [2, 0], sizes = [1, 512], strides = [1, 1]} : vector<8x512xf32> to vector<1x512xf32>
      %mul3A_190 = arith.constant 5.000000e-01 : f32
      %mul3A_191 = vector.broadcast %mul3A_190 : f32 to vector<1x512xf32>
      %mul3A_192 = arith.mulf %slice3A_189, %mul3A_191 : vector<1x512xf32>
      %sub3A_193 = arith.subf %slice3A_188, %mul3A_192 : vector<1x512xf32>
      %slice3A_194 = vector.extract_strided_slice %get3A_187 {offsets = [0, 0], sizes = [1, 512], strides = [1, 1]} : vector<8x512xf32> to vector<1x512xf32>
      %slice3A_195 = vector.extract_strided_slice %get3A_187 {offsets = [2, 0], sizes = [1, 512], strides = [1, 1]} : vector<8x512xf32> to vector<1x512xf32>
      %mul3A_196 = arith.constant 5.000000e-01 : f32
      %mul3A_197 = vector.broadcast %mul3A_196 : f32 to vector<1x512xf32>
      %mul3A_198 = arith.mulf %slice3A_195, %mul3A_197 : vector<1x512xf32>
      %add3A_199 = arith.addf %slice3A_194, %mul3A_198 : vector<1x512xf32>
      %slice3A_200 = vector.extract_strided_slice %get3A_187 {offsets = [1, 0], sizes = [1, 512], strides = [1, 1]} : vector<8x512xf32> to vector<1x512xf32>
      %slice3A_201 = vector.extract_strided_slice %get3A_187 {offsets = [3, 0], sizes = [1, 512], strides = [1, 1]} : vector<8x512xf32> to vector<1x512xf32>
      %mul3A_202 = arith.constant 5.000000e-01 : f32
      %mul3A_203 = vector.broadcast %mul3A_202 : f32 to vector<1x512xf32>
      %mul3A_204 = arith.mulf %slice3A_201, %mul3A_203 : vector<1x512xf32>
      %sub3A_205 = arith.subf %slice3A_200, %mul3A_204 : vector<1x512xf32>
      %slice3A_206 = vector.extract_strided_slice %get3A_187 {offsets = [1, 0], sizes = [1, 512], strides = [1, 1]} : vector<8x512xf32> to vector<1x512xf32>
      %slice3A_207 = vector.extract_strided_slice %get3A_187 {offsets = [3, 0], sizes = [1, 512], strides = [1, 1]} : vector<8x512xf32> to vector<1x512xf32>
      %mul3A_208 = arith.constant 5.000000e-01 : f32
      %mul3A_209 = vector.broadcast %mul3A_208 : f32 to vector<1x512xf32>
      %mul3A_210 = arith.mulf %slice3A_207, %mul3A_209 : vector<1x512xf32>
      %add3A_211 = arith.addf %slice3A_206, %mul3A_210 : vector<1x512xf32>
      %slice3A_212 = vector.extract_strided_slice %get3A_187 {offsets = [2, 0], sizes = [1, 512], strides = [1, 1]} : vector<8x512xf32> to vector<1x512xf32>
      %slice3A_213 = vector.extract_strided_slice %get3A_187 {offsets = [3, 0], sizes = [1, 512], strides = [1, 1]} : vector<8x512xf32> to vector<1x512xf32>
      %mul3A_214 = arith.mulf %slice3A_212, %slice3A_213 : vector<1x512xf32>
      %slice3A_215 = vector.extract_strided_slice %get3A_187 {offsets = [5, 0], sizes = [1, 512], strides = [1, 1]} : vector<8x512xf32> to vector<1x512xf32>
      %gt3A_216 = arith.constant 2.000000e-01 : f32
      %gt3A_217 = vector.broadcast %gt3A_216 : f32 to vector<1x512xf32>
      %gt3A_218 = arith.cmpf ogt, %slice3A_215, %gt3A_217 : vector<1x512xf32>
      %slice3A_219 = vector.extract_strided_slice %get3A_187 {offsets = [4, 0], sizes = [1, 512], strides = [1, 1]} : vector<8x512xf32> to vector<1x512xf32>
      %jit3A_220 = arith.constant -2.000000e+00 : f32
      %broadcast_in_dim3A_221 = vector.broadcast %jit3A_220 : f32 to vector<1x512xf32>
      %select_n3A_222 = arith.select %gt3A_218, %slice3A_219, %broadcast_in_dim3A_221 : vector<1x512xi1>, vector<1x512xf32>
      %min3A_223 = vector.broadcast %add3A : vector<512x1xf32> to vector<512x512xf32>
      %min3A_224 = vector.broadcast %add3A_199 : vector<1x512xf32> to vector<512x512xf32>
      %min3A_225 = arith.minimumf %min3A_223, %min3A_224 : vector<512x512xf32>
      %max3A = vector.broadcast %sub3A : vector<512x1xf32> to vector<512x512xf32>
      %max3A_226 = vector.broadcast %sub3A_193 : vector<1x512xf32> to vector<512x512xf32>
      %max3A_227 = arith.maximumf %max3A, %max3A_226 : vector<512x512xf32>
      %sub3A_228 = arith.subf %min3A_225, %max3A_227 : vector<512x512xf32>
      %jit3A_229 = arith.constant 0.000000e+00 : f32
      %max3A_230 = vector.broadcast %jit3A_229 : f32 to vector<512x512xf32>
      %max3A_231 = arith.maximumf %max3A_230, %sub3A_228 : vector<512x512xf32>
      %min3A_232 = vector.broadcast %add3A_21 : vector<512x1xf32> to vector<512x512xf32>
      %min3A_233 = vector.broadcast %add3A_211 : vector<1x512xf32> to vector<512x512xf32>
      %min3A_234 = arith.minimumf %min3A_232, %min3A_233 : vector<512x512xf32>
      %max3A_235 = vector.broadcast %sub3A_15 : vector<512x1xf32> to vector<512x512xf32>
      %max3A_236 = vector.broadcast %sub3A_205 : vector<1x512xf32> to vector<512x512xf32>
      %max3A_237 = arith.maximumf %max3A_235, %max3A_236 : vector<512x512xf32>
      %sub3A_238 = arith.subf %min3A_234, %max3A_237 : vector<512x512xf32>
      %jit3A_239 = arith.constant 0.000000e+00 : f32
      %max3A_240 = vector.broadcast %jit3A_239 : f32 to vector<512x512xf32>
      %max3A_241 = arith.maximumf %max3A_240, %sub3A_238 : vector<512x512xf32>
      %mul3A_242 = arith.mulf %max3A_231, %max3A_241 : vector<512x512xf32>
      %add3A_243 = vector.broadcast %mul3A_24 : vector<512x1xf32> to vector<512x512xf32>
      %add3A_244 = vector.broadcast %mul3A_214 : vector<1x512xf32> to vector<512x512xf32>
      %add3A_245 = arith.addf %add3A_243, %add3A_244 : vector<512x512xf32>
      %sub3A_246 = arith.subf %add3A_245, %mul3A_242 : vector<512x512xf32>
      %jit3A_247 = arith.constant 9.99999997E-7 : f32
      %max3A_248 = vector.broadcast %jit3A_247 : f32 to vector<512x512xf32>
      %max3A_249 = arith.maximumf %max3A_248, %sub3A_246 : vector<512x512xf32>
      %div3A_250 = arith.divf %mul3A_242, %max3A_249 : vector<512x512xf32>
      %gt3A_251 = arith.constant 3.000000e-01 : f32
      %gt3A_252 = vector.broadcast %gt3A_251 : f32 to vector<512x512xf32>
      %gt3A_253 = arith.cmpf ogt, %div3A_250, %gt3A_252 : vector<512x512xf32>
      %eq3A = vector.broadcast %slice3A_25 : vector<512x1xf32> to vector<512x512xf32>
      %eq3A_254 = vector.broadcast %select_n3A_222 : vector<1x512xf32> to vector<512x512xf32>
      %eq3A_255 = arith.cmpf oeq, %eq3A, %eq3A_254 : vector<512x512xf32>
      %and3A_256 = arith.andi %gt3A_253, %eq3A_255 : vector<512x512xi1>
      %iota3A_257 = tpu.iota {dimensions = array<i32: 1>} : vector<1x512xi32>
      %add3A_258 = vector.broadcast %multiple_of3A : i32 to vector<1x512xi32>
      %add3A_259 = arith.addi %add3A_258, %iota3A_257 : vector<1x512xi32>
      %reduce_or3A = arith.constant 1.000000e+00 : f32
      %reduce_or3A_260 = arith.constant 0.000000e+00 : f32
      %reduce_or3A_261 = vector.broadcast %reduce_or3A : f32 to vector<512x512xf32>
      %reduce_or3A_262 = vector.broadcast %reduce_or3A_260 : f32 to vector<512x512xf32>
      %reduce_or3A_263 = arith.select %and3A_256, %reduce_or3A_261, %reduce_or3A_262 : vector<512x512xi1>, vector<512x512xf32>
      %reduce_or3A_264 = arith.constant dense<0xFF800000> : vector<512xf32>
      %reduce_or3A_265 = vector.multi_reduction <maximumf>, %reduce_or3A_263, %reduce_or3A_264 [1] : vector<512x512xf32> to vector<512xf32>
      %reduce_or3A_266 = arith.constant 0.000000e+00 : f32
      %reduce_or3A_267 = vector.broadcast %reduce_or3A_266 : f32 to vector<512xf32>
      %reduce_or3A_268 = arith.cmpf ogt, %reduce_or3A_265, %reduce_or3A_267 : vector<512xf32>
      %broadcast_in_dim3A_269 = vector.shape_cast %reduce_or3A_268 : vector<512xi1> to vector<512x1xi1>
      %get3A_270 = arith.constant 0 : index
      %get3A_271 = arith.constant 0 : index
      %get3A_272 = vector.load %arg7[%get3A_270, %get3A_271] : memref<512x1xf32, #tpu.memory_space<vmem>>, vector<512x1xf32>
      %convert_element_type3A_273 = arith.extui %broadcast_in_dim3A_269 : vector<512x1xi1> to vector<512x1xi32>
      %convert_element_type3A_274 = arith.sitofp %convert_element_type3A_273 : vector<512x1xi32> to vector<512x1xf32>
      %max3A_275 = arith.maximumf %get3A_272, %convert_element_type3A_274 : vector<512x1xf32>
      %swap3A_276 = arith.constant 0 : index
      %swap3A_277 = arith.constant 0 : index
      %swap3A_278 = vector.load %arg7[%swap3A_276, %swap3A_277] : memref<512x1xf32, #tpu.memory_space<vmem>>, vector<512x1xf32>
      tpu.vector_store %arg7[%swap3A_276, %swap3A_277], %max3A_275 {strides = array<i32>} : memref<512x1xf32, #tpu.memory_space<vmem>>, vector<512x1xf32>,
    }
    %while3A_140 = arith.constant 0 : i32
    %while3A_141 = arith.constant 1073741824 : i32
    %while3A_142 = arith.subi %min3A_130, %min3A : i32
    %while3A_143 = arith.addi %min3A, %while3A_142 : i32
    %while3A_144 = arith.constant 1 : i32
    %while3A_145 = arith.divsi %while3A_142, %while3A_144 : i32
    %while3A_146 = arith.muli %while3A_145, %while3A_144 : i32
    %while3A_147 = arith.addi %min3A, %while3A_146 : i32
    %while3A_148 = arith.constant 1 : i32
    scf.for %while3A_182 = %min3A to %while3A_147 step %while3A_148  : i32 {
      %mul3A_183 = arith.constant 512 : i32
      %mul3A_184 = arith.muli %while3A_182, %mul3A_183 : i32
      %multiple_of3A = tpu.assume_multiple %mul3A_184, 512 : i32
      %get3A_185 = arith.constant 0 : index
      %get3A_186 = arith.index_cast %multiple_of3A : i32 to index
      %get3A_187 = vector.load %arg3[%get3A_185, %get3A_186] : memref<8x5120xf32, #tpu.memory_space<vmem>>, vector<8x512xf32>
      %slice3A_188 = vector.extract_strided_slice %get3A_187 {offsets = [0, 0], sizes = [1, 512], strides = [1, 1]} : vector<8x512xf32> to vector<1x512xf32>
      %slice3A_189 = vector.extract_strided_slice %get3A_187 {offsets = [2, 0], sizes = [1, 512], strides = [1, 1]} : vector<8x512xf32> to vector<1x512xf32>
      %mul3A_190 = arith.constant 5.000000e-01 : f32
      %mul3A_191 = vector.broadcast %mul3A_190 : f32 to vector<1x512xf32>
      %mul3A_192 = arith.mulf %slice3A_189, %mul3A_191 : vector<1x512xf32>
      %sub3A_193 = arith.subf %slice3A_188, %mul3A_192 : vector<1x512xf32>
      %slice3A_194 = vector.extract_strided_slice %get3A_187 {offsets = [0, 0], sizes = [1, 512], strides = [1, 1]} : vector<8x512xf32> to vector<1x512xf32>
      %slice3A_195 = vector.extract_strided_slice %get3A_187 {offsets = [2, 0], sizes = [1, 512], strides = [1, 1]} : vector<8x512xf32> to vector<1x512xf32>
      %mul3A_196 = arith.constant 5.000000e-01 : f32
      %mul3A_197 = vector.broadcast %mul3A_196 : f32 to vector<1x512xf32>
      %mul3A_198 = arith.mulf %slice3A_195, %mul3A_197 : vector<1x512xf32>
      %add3A_199 = arith.addf %slice3A_194, %mul3A_198 : vector<1x512xf32>
      %slice3A_200 = vector.extract_strided_slice %get3A_187 {offsets = [1, 0], sizes = [1, 512], strides = [1, 1]} : vector<8x512xf32> to vector<1x512xf32>
      %slice3A_201 = vector.extract_strided_slice %get3A_187 {offsets = [3, 0], sizes = [1, 512], strides = [1, 1]} : vector<8x512xf32> to vector<1x512xf32>
      %mul3A_202 = arith.constant 5.000000e-01 : f32
      %mul3A_203 = vector.broadcast %mul3A_202 : f32 to vector<1x512xf32>
      %mul3A_204 = arith.mulf %slice3A_201, %mul3A_203 : vector<1x512xf32>
      %sub3A_205 = arith.subf %slice3A_200, %mul3A_204 : vector<1x512xf32>
      %slice3A_206 = vector.extract_strided_slice %get3A_187 {offsets = [1, 0], sizes = [1, 512], strides = [1, 1]} : vector<8x512xf32> to vector<1x512xf32>
      %slice3A_207 = vector.extract_strided_slice %get3A_187 {offsets = [3, 0], sizes = [1, 512], strides = [1, 1]} : vector<8x512xf32> to vector<1x512xf32>
      %mul3A_208 = arith.constant 5.000000e-01 : f32
      %mul3A_209 = vector.broadcast %mul3A_208 : f32 to vector<1x512xf32>
      %mul3A_210 = arith.mulf %slice3A_207, %mul3A_209 : vector<1x512xf32>
      %add3A_211 = arith.addf %slice3A_206, %mul3A_210 : vector<1x512xf32>
      %slice3A_212 = vector.extract_strided_slice %get3A_187 {offsets = [2, 0], sizes = [1, 512], strides = [1, 1]} : vector<8x512xf32> to vector<1x512xf32>
      %slice3A_213 = vector.extract_strided_slice %get3A_187 {offsets = [3, 0], sizes = [1, 512], strides = [1, 1]} : vector<8x512xf32> to vector<1x512xf32>
      %mul3A_214 = arith.mulf %slice3A_212, %slice3A_213 : vector<1x512xf32>
      %slice3A_215 = vector.extract_strided_slice %get3A_187 {offsets = [5, 0], sizes = [1, 512], strides = [1, 1]} : vector<8x512xf32> to vector<1x512xf32>
      %gt3A_216 = arith.constant 2.000000e-01 : f32
      %gt3A_217 = vector.broadcast %gt3A_216 : f32 to vector<1x512xf32>
      %gt3A_218 = arith.cmpf ogt, %slice3A_215, %gt3A_217 : vector<1x512xf32>
      %slice3A_219 = vector.extract_strided_slice %get3A_187 {offsets = [4, 0], sizes = [1, 512], strides = [1, 1]} : vector<8x512xf32> to vector<1x512xf32>
      %jit3A_220 = arith.constant -2.000000e+00 : f32
      %broadcast_in_dim3A_221 = vector.broadcast %jit3A_220 : f32 to vector<1x512xf32>
      %select_n3A_222 = arith.select %gt3A_218, %slice3A_219, %broadcast_in_dim3A_221 : vector<1x512xi1>, vector<1x512xf32>
      %min3A_223 = vector.broadcast %add3A : vector<512x1xf32> to vector<512x512xf32>
      %min3A_224 = vector.broadcast %add3A_199 : vector<1x512xf32> to vector<512x512xf32>
      %min3A_225 = arith.minimumf %min3A_223, %min3A_224 : vector<512x512xf32>
      %max3A = vector.broadcast %sub3A : vector<512x1xf32> to vector<512x512xf32>
      %max3A_226 = vector.broadcast %sub3A_193 : vector<1x512xf32> to vector<512x512xf32>
      %max3A_227 = arith.maximumf %max3A, %max3A_226 : vector<512x512xf32>
      %sub3A_228 = arith.subf %min3A_225, %max3A_227 : vector<512x512xf32>
      %jit3A_229 = arith.constant 0.000000e+00 : f32
      %max3A_230 = vector.broadcast %jit3A_229 : f32 to vector<512x512xf32>
      %max3A_231 = arith.maximumf %max3A_230, %sub3A_228 : vector<512x512xf32>
      %min3A_232 = vector.broadcast %add3A_21 : vector<512x1xf32> to vector<512x512xf32>
      %min3A_233 = vector.broadcast %add3A_211 : vector<1x512xf32> to vector<512x512xf32>
      %min3A_234 = arith.minimumf %min3A_232, %min3A_233 : vector<512x512xf32>
      %max3A_235 = vector.broadcast %sub3A_15 : vector<512x1xf32> to vector<512x512xf32>
      %max3A_236 = vector.broadcast %sub3A_205 : vector<1x512xf32> to vector<512x512xf32>
      %max3A_237 = arith.maximumf %max3A_235, %max3A_236 : vector<512x512xf32>
      %sub3A_238 = arith.subf %min3A_234, %max3A_237 : vector<512x512xf32>
      %jit3A_239 = arith.constant 0.000000e+00 : f32
      %max3A_240 = vector.broadcast %jit3A_239 : f32 to vector<512x512xf32>
      %max3A_241 = arith.maximumf %max3A_240, %sub3A_238 : vector<512x512xf32>
      %mul3A_242 = arith.mulf %max3A_231, %max3A_241 : vector<512x512xf32>
      %add3A_243 = vector.broadcast %mul3A_24 : vector<512x1xf32> to vector<512x512xf32>
      %add3A_244 = vector.broadcast %mul3A_214 : vector<1x512xf32> to vector<512x512xf32>
      %add3A_245 = arith.addf %add3A_243, %add3A_244 : vector<512x512xf32>
      %sub3A_246 = arith.subf %add3A_245, %mul3A_242 : vector<512x512xf32>
      %jit3A_247 = arith.constant 9.99999997E-7 : f32
      %max3A_248 = vector.broadcast %jit3A_247 : f32 to vector<512x512xf32>
      %max3A_249 = arith.maximumf %max3A_248, %sub3A_246 : vector<512x512xf32>
      %div3A_250 = arith.divf %mul3A_242, %max3A_249 : vector<512x512xf32>
      %gt3A_251 = arith.constant 3.000000e-01 : f32
      %gt3A_252 = vector.broadcast %gt3A_251 : f32 to vector<512x512xf32>
      %gt3A_253 = arith.cmpf ogt, %div3A_250, %gt3A_252 : vector<512x512xf32>
      %eq3A = vector.broadcast %slice3A_25 : vector<512x1xf32> to vector<512x512xf32>
      %eq3A_254 = vector.broadcast %select_n3A_222 : vector<1x512xf32> to vector<512x512xf32>
      %eq3A_255 = arith.cmpf oeq, %eq3A, %eq3A_254 : vector<512x512xf32>
      %and3A_256 = arith.andi %gt3A_253, %eq3A_255 : vector<512x512xi1>
      %iota3A_257 = tpu.iota {dimensions = array<i32: 1>} : vector<1x512xi32>
      %add3A_258 = vector.broadcast %multiple_of3A : i32 to vector<1x512xi32>
      %add3A_259 = arith.addi %add3A_258, %iota3A_257 : vector<1x512xi32>
      %ge3A_260 = vector.broadcast %add3A_259 : vector<1x512xi32> to vector<512x512xi32>
      %ge3A_261 = vector.broadcast %add3A_32 : vector<512x1xi32> to vector<512x512xi32>
      %ge3A_262 = arith.cmpi sge, %ge3A_260, %ge3A_261 : vector<512x512xi32>
      %not3A = arith.constant dense<true> : vector<512x512xi1>
      %not3A_263 = arith.xori %ge3A_262, %not3A : vector<512x512xi1>
      %and3A_264 = arith.andi %and3A_256, %not3A_263 : vector<512x512xi1>
      %reduce_or3A = arith.constant 1.000000e+00 : f32
      %reduce_or3A_265 = arith.constant 0.000000e+00 : f32
      %reduce_or3A_266 = vector.broadcast %reduce_or3A : f32 to vector<512x512xf32>
      %reduce_or3A_267 = vector.broadcast %reduce_or3A_265 : f32 to vector<512x512xf32>
      %reduce_or3A_268 = arith.select %and3A_264, %reduce_or3A_266, %reduce_or3A_267 : vector<512x512xi1>, vector<512x512xf32>
      %reduce_or3A_269 = arith.constant dense<0xFF800000> : vector<512xf32>
      %reduce_or3A_270 = vector.multi_reduction <maximumf>, %reduce_or3A_268, %reduce_or3A_269 [1] : vector<512x512xf32> to vector<512xf32>
      %reduce_or3A_271 = arith.constant 0.000000e+00 : f32
      %reduce_or3A_272 = vector.broadcast %reduce_or3A_271 : f32 to vector<512xf32>
      %reduce_or3A_273 = arith.cmpf ogt, %reduce_or3A_270, %reduce_or3A_272 : vector<512xf32>
      %broadcast_in_dim3A_274 = vector.shape_cast %reduce_or3A_273 : vector<512xi1> to vector<512x1xi1>
      %get3A_275 = arith.constant 0 : index
      %get3A_276 = arith.constant 0 : index
      %get3A_277 = vector.load %arg7[%get3A_275, %get3A_276] : memref<512x1xf32, #tpu.memory_space<vmem>>, vector<512x1xf32>
      %convert_element_type3A_278 = arith.extui %broadcast_in_dim3A_274 : vector<512x1xi1> to vector<512x1xi32>
      %convert_element_type3A_279 = arith.sitofp %convert_element_type3A_278 : vector<512x1xi32> to vector<512x1xf32>
      %max3A_280 = arith.maximumf %get3A_277, %convert_element_type3A_279 : vector<512x1xf32>
      %swap3A_281 = arith.constant 0 : index
      %swap3A_282 = arith.constant 0 : index
      %swap3A_283 = vector.load %arg7[%swap3A_281, %swap3A_282] : memref<512x1xf32, #tpu.memory_space<vmem>>, vector<512x1xf32>
      tpu.vector_store %arg7[%swap3A_281, %swap3A_282], %max3A_280 {strides = array<i32>} : memref<512x1xf32, #tpu.memory_space<vmem>>, vector<512x1xf32>,
      %and3A_284 = arith.andi %and3A_256, %ge3A_262 : vector<512x512xi1>
      %get3A_285 = arith.constant 0 : index
      %get3A_286 = arith.constant 0 : index
      %get3A_287 = vector.load %arg8[%get3A_285, %get3A_286] : memref<512x1xi32, #tpu.memory_space<vmem>>, vector<512x1xi32>
      %lt3A_288 = arith.constant 16 : i32
      %lt3A_289 = vector.broadcast %lt3A_288 : i32 to vector<512x1xi32>
      %lt3A_290 = arith.cmpi slt, %get3A_287, %lt3A_289 : vector<512x1xi32>
      %and3A_291 = vector.broadcast %lt3A_290 : vector<512x1xi1> to vector<512x512xi1>
      %and3A_292 = arith.andi %and3A_284, %and3A_291 : vector<512x512xi1>
      %broadcast_in_dim3A_293 = vector.shape_cast %add3A_259 : vector<1x512xi32> to vector<1x512xi32>
      %broadcast_in_dim3A_294 = vector.broadcast %broadcast_in_dim3A_293 : vector<1x512xi32> to vector<512x512xi32>
      %convert_element_type3A_295 = arith.extui %and3A_292 : vector<512x512xi1> to vector<512x512xi32>
      %swap3A_296 = arith.constant 0 : index
      %swap3A_297 = arith.constant 0 : index
      %swap3A_298 = vector.load %arg6[%swap3A_296, %swap3A_297] : memref<512x512xi32, #tpu.memory_space<vmem>>, vector<512x512xi32>
      tpu.vector_store %arg6[%swap3A_296, %swap3A_297], %convert_element_type3A_295 {strides = array<i32>} : memref<512x512xi32, #tpu.memory_space<vmem>>, vector<512x512xi32>,
      %convert_element_type3A_299 = arith.extui %and3A_292 : vector<512x512xi1> to vector<512x512xi32>
      %convert_element_type3A_300 = arith.sitofp %convert_element_type3A_299 : vector<512x512xi32> to vector<512x512xf32>
      %reduce_sum3A = vector.shape_cast %convert_element_type3A_300 : vector<512x512xf32> to vector<1x512x512xf32>
      %reduce_sum3A_301 = arith.constant dense<0.000000e+00> : vector<1xf32>
      %reduce_sum3A_302 = vector.multi_reduction <add>, %reduce_sum3A, %reduce_sum3A_301 [1, 2] : vector<1x512x512xf32> to vector<1xf32>
      %reduce_sum3A_303 = vector.shape_cast %reduce_sum3A_302 : vector<1xf32> to vector<1x1x1xf32>
      %reduce_sum3A_304 = vector.extract %reduce_sum3A_303[0, 0, 0] : f32 from vector<1x1x1xf32>
      %while3A_305 = scf.while (%while3A_306 = %reduce_sum3A_304) : (f32) -> f32 {
        %gt3A_307 = arith.constant 0.000000e+00 : f32
        %gt3A_308 = arith.cmpf ogt, %while3A_306, %gt3A_307 : f32
        scf.condition(%gt3A_308) %while3A_306 : f32
      } do {
      ^bb0(%while3A_306: f32):
        %get3A_307 = arith.constant 0 : index
        %get3A_308 = arith.constant 0 : index
        %get3A_309 = vector.load %arg6[%get3A_307, %get3A_308] : memref<512x512xi32, #tpu.memory_space<vmem>>, vector<512x512xi32>
        %gt3A_310 = arith.constant 0 : i32
        %gt3A_311 = vector.broadcast %gt3A_310 : i32 to vector<512x512xi32>
        %gt3A_312 = arith.cmpi sgt, %get3A_309, %gt3A_311 : vector<512x512xi32>
        %broadcast_in_dim3A_313 = vector.broadcast %while3A_141 : i32 to vector<512x512xi32>
        %select_n3A_314 = arith.select %gt3A_312, %broadcast_in_dim3A_294, %broadcast_in_dim3A_313 : vector<512x512xi1>, vector<512x512xi32>
        %reduce_min3A = arith.constant dense<2147483647> : vector<512xi32>
        %reduce_min3A_315 = vector.multi_reduction <minsi>, %select_n3A_314, %reduce_min3A [1] : vector<512x512xi32> to vector<512xi32>
        %broadcast_in_dim3A_316 = vector.shape_cast %reduce_min3A_315 : vector<512xi32> to vector<512x1xi32>
        %lt3A_317 = vector.broadcast %while3A_141 : i32 to vector<512x1xi32>
        %lt3A_318 = arith.cmpi slt, %broadcast_in_dim3A_316, %lt3A_317 : vector<512x1xi32>
        %get3A_319 = arith.constant 0 : index
        %get3A_320 = arith.constant 0 : index
        %get3A_321 = vector.load %arg8[%get3A_319, %get3A_320] : memref<512x1xi32, #tpu.memory_space<vmem>>, vector<512x1xi32>
        %eq3A_322 = vector.broadcast %get3A_321 : vector<512x1xi32> to vector<512x16xi32>
        %eq3A_323 = arith.cmpi eq, %iota3A_33, %eq3A_322 : vector<512x16xi32>
        %and3A_324 = vector.broadcast %lt3A_318 : vector<512x1xi1> to vector<512x16xi1>
        %and3A_325 = arith.andi %eq3A_323, %and3A_324 : vector<512x16xi1>
        %lt3A_326 = arith.constant 16 : i32
        %lt3A_327 = vector.broadcast %lt3A_326 : i32 to vector<512x1xi32>
        %lt3A_328 = arith.cmpi slt, %get3A_321, %lt3A_327 : vector<512x1xi32>
        %and3A_329 = vector.broadcast %lt3A_328 : vector<512x1xi1> to vector<512x16xi1>
        %and3A_330 = arith.andi %and3A_325, %and3A_329 : vector<512x16xi1>
        %broadcast_in_dim3A_331 = vector.shape_cast %broadcast_in_dim3A_316 : vector<512x1xi32> to vector<512x1xi32>
        %broadcast_in_dim3A_332 = vector.broadcast %broadcast_in_dim3A_331 : vector<512x1xi32> to vector<512x16xi32>
        %get3A_333 = arith.constant 0 : index
        %get3A_334 = arith.constant 0 : index
        %get3A_335 = vector.load %arg9[%get3A_333, %get3A_334] : memref<512x16xi32, #tpu.memory_space<vmem>>, vector<512x16xi32>
        %select_n3A_336 = arith.select %and3A_330, %broadcast_in_dim3A_332, %get3A_335 : vector<512x16xi1>, vector<512x16xi32>
        %swap3A_337 = arith.constant 0 : index
        %swap3A_338 = arith.constant 0 : index
        %swap3A_339 = vector.load %arg9[%swap3A_337, %swap3A_338] : memref<512x16xi32, #tpu.memory_space<vmem>>, vector<512x16xi32>
        tpu.vector_store %arg9[%swap3A_337, %swap3A_338], %select_n3A_336 {strides = array<i32>} : memref<512x16xi32, #tpu.memory_space<vmem>>, vector<512x16xi32>,
        %convert_element_type3A_340 = arith.extui %lt3A_318 : vector<512x1xi1> to vector<512x1xi32>
        %add3A_341 = arith.addi %get3A_321, %convert_element_type3A_340 : vector<512x1xi32>
        %swap3A_342 = arith.constant 0 : index
        %swap3A_343 = arith.constant 0 : index
        %swap3A_344 = vector.load %arg8[%swap3A_342, %swap3A_343] : memref<512x1xi32, #tpu.memory_space<vmem>>, vector<512x1xi32>
        tpu.vector_store %arg8[%swap3A_342, %swap3A_343], %add3A_341 {strides = array<i32>} : memref<512x1xi32, #tpu.memory_space<vmem>>, vector<512x1xi32>,
        %ne3A_345 = vector.broadcast %broadcast_in_dim3A_316 : vector<512x1xi32> to vector<512x512xi32>
        %ne3A_346 = arith.cmpi ne, %broadcast_in_dim3A_294, %ne3A_345 : vector<512x512xi32>
        %and3A_347 = arith.andi %gt3A_312, %ne3A_346 : vector<512x512xi1>
        %lt3A_348 = arith.constant 16 : i32
        %lt3A_349 = vector.broadcast %lt3A_348 : i32 to vector<512x1xi32>
        %lt3A_350 = arith.cmpi slt, %add3A_341, %lt3A_349 : vector<512x1xi32>
        %and3A_351 = vector.broadcast %lt3A_350 : vector<512x1xi1> to vector<512x512xi1>
        %and3A_352 = arith.andi %and3A_347, %and3A_351 : vector<512x512xi1>
        %convert_element_type3A_353 = arith.extui %and3A_352 : vector<512x512xi1> to vector<512x512xi32>
        %swap3A_354 = arith.constant 0 : index
        %swap3A_355 = arith.constant 0 : index
        %swap3A_356 = vector.load %arg6[%swap3A_354, %swap3A_355] : memref<512x512xi32, #tpu.memory_space<vmem>>, vector<512x512xi32>
        tpu.vector_store %arg6[%swap3A_354, %swap3A_355], %convert_element_type3A_353 {strides = array<i32>} : memref<512x512xi32, #tpu.memory_space<vmem>>, vector<512x512xi32>,
        %convert_element_type3A_357 = arith.extui %and3A_352 : vector<512x512xi1> to vector<512x512xi32>
        %convert_element_type3A_358 = arith.sitofp %convert_element_type3A_357 : vector<512x512xi32> to vector<512x512xf32>
        %reduce_sum3A_359 = vector.shape_cast %convert_element_type3A_358 : vector<512x512xf32> to vector<1x512x512xf32>
        %reduce_sum3A_360 = arith.constant dense<0.000000e+00> : vector<1xf32>
        %reduce_sum3A_361 = vector.multi_reduction <add>, %reduce_sum3A_359, %reduce_sum3A_360 [1, 2] : vector<1x512x512xf32> to vector<1xf32>
        %reduce_sum3A_362 = vector.shape_cast %reduce_sum3A_361 : vector<1xf32> to vector<1x1x1xf32>
        %reduce_sum3A_363 = vector.extract %reduce_sum3A_362[0, 0, 0] : f32 from vector<1x1x1xf32>
        scf.yield %reduce_sum3A_363 : f32
      }
    }
    %while3A_149 = arith.constant 1 : i32
    scf.for %while3A_182 = %while3A_147 to %while3A_143 step %while3A_149  : i32 {
      %mul3A_183 = arith.constant 512 : i32
      %mul3A_184 = arith.muli %while3A_182, %mul3A_183 : i32
      %multiple_of3A = tpu.assume_multiple %mul3A_184, 512 : i32
      %get3A_185 = arith.constant 0 : index
      %get3A_186 = arith.index_cast %multiple_of3A : i32 to index
      %get3A_187 = vector.load %arg3[%get3A_185, %get3A_186] : memref<8x5120xf32, #tpu.memory_space<vmem>>, vector<8x512xf32>
      %slice3A_188 = vector.extract_strided_slice %get3A_187 {offsets = [0, 0], sizes = [1, 512], strides = [1, 1]} : vector<8x512xf32> to vector<1x512xf32>
      %slice3A_189 = vector.extract_strided_slice %get3A_187 {offsets = [2, 0], sizes = [1, 512], strides = [1, 1]} : vector<8x512xf32> to vector<1x512xf32>
      %mul3A_190 = arith.constant 5.000000e-01 : f32
      %mul3A_191 = vector.broadcast %mul3A_190 : f32 to vector<1x512xf32>
      %mul3A_192 = arith.mulf %slice3A_189, %mul3A_191 : vector<1x512xf32>
      %sub3A_193 = arith.subf %slice3A_188, %mul3A_192 : vector<1x512xf32>
      %slice3A_194 = vector.extract_strided_slice %get3A_187 {offsets = [0, 0], sizes = [1, 512], strides = [1, 1]} : vector<8x512xf32> to vector<1x512xf32>
      %slice3A_195 = vector.extract_strided_slice %get3A_187 {offsets = [2, 0], sizes = [1, 512], strides = [1, 1]} : vector<8x512xf32> to vector<1x512xf32>
      %mul3A_196 = arith.constant 5.000000e-01 : f32
      %mul3A_197 = vector.broadcast %mul3A_196 : f32 to vector<1x512xf32>
      %mul3A_198 = arith.mulf %slice3A_195, %mul3A_197 : vector<1x512xf32>
      %add3A_199 = arith.addf %slice3A_194, %mul3A_198 : vector<1x512xf32>
      %slice3A_200 = vector.extract_strided_slice %get3A_187 {offsets = [1, 0], sizes = [1, 512], strides = [1, 1]} : vector<8x512xf32> to vector<1x512xf32>
      %slice3A_201 = vector.extract_strided_slice %get3A_187 {offsets = [3, 0], sizes = [1, 512], strides = [1, 1]} : vector<8x512xf32> to vector<1x512xf32>
      %mul3A_202 = arith.constant 5.000000e-01 : f32
      %mul3A_203 = vector.broadcast %mul3A_202 : f32 to vector<1x512xf32>
      %mul3A_204 = arith.mulf %slice3A_201, %mul3A_203 : vector<1x512xf32>
      %sub3A_205 = arith.subf %slice3A_200, %mul3A_204 : vector<1x512xf32>
      %slice3A_206 = vector.extract_strided_slice %get3A_187 {offsets = [1, 0], sizes = [1, 512], strides = [1, 1]} : vector<8x512xf32> to vector<1x512xf32>
      %slice3A_207 = vector.extract_strided_slice %get3A_187 {offsets = [3, 0], sizes = [1, 512], strides = [1, 1]} : vector<8x512xf32> to vector<1x512xf32>
      %mul3A_208 = arith.constant 5.000000e-01 : f32
      %mul3A_209 = vector.broadcast %mul3A_208 : f32 to vector<1x512xf32>
      %mul3A_210 = arith.mulf %slice3A_207, %mul3A_209 : vector<1x512xf32>
      %add3A_211 = arith.addf %slice3A_206, %mul3A_210 : vector<1x512xf32>
      %slice3A_212 = vector.extract_strided_slice %get3A_187 {offsets = [2, 0], sizes = [1, 512], strides = [1, 1]} : vector<8x512xf32> to vector<1x512xf32>
      %slice3A_213 = vector.extract_strided_slice %get3A_187 {offsets = [3, 0], sizes = [1, 512], strides = [1, 1]} : vector<8x512xf32> to vector<1x512xf32>
      %mul3A_214 = arith.mulf %slice3A_212, %slice3A_213 : vector<1x512xf32>
      %slice3A_215 = vector.extract_strided_slice %get3A_187 {offsets = [5, 0], sizes = [1, 512], strides = [1, 1]} : vector<8x512xf32> to vector<1x512xf32>
      %gt3A_216 = arith.constant 2.000000e-01 : f32
      %gt3A_217 = vector.broadcast %gt3A_216 : f32 to vector<1x512xf32>
      %gt3A_218 = arith.cmpf ogt, %slice3A_215, %gt3A_217 : vector<1x512xf32>
      %slice3A_219 = vector.extract_strided_slice %get3A_187 {offsets = [4, 0], sizes = [1, 512], strides = [1, 1]} : vector<8x512xf32> to vector<1x512xf32>
      %jit3A_220 = arith.constant -2.000000e+00 : f32
      %broadcast_in_dim3A_221 = vector.broadcast %jit3A_220 : f32 to vector<1x512xf32>
      %select_n3A_222 = arith.select %gt3A_218, %slice3A_219, %broadcast_in_dim3A_221 : vector<1x512xi1>, vector<1x512xf32>
      %min3A_223 = vector.broadcast %add3A : vector<512x1xf32> to vector<512x512xf32>
      %min3A_224 = vector.broadcast %add3A_199 : vector<1x512xf32> to vector<512x512xf32>
      %min3A_225 = arith.minimumf %min3A_223, %min3A_224 : vector<512x512xf32>
      %max3A = vector.broadcast %sub3A : vector<512x1xf32> to vector<512x512xf32>
      %max3A_226 = vector.broadcast %sub3A_193 : vector<1x512xf32> to vector<512x512xf32>
      %max3A_227 = arith.maximumf %max3A, %max3A_226 : vector<512x512xf32>
      %sub3A_228 = arith.subf %min3A_225, %max3A_227 : vector<512x512xf32>
      %jit3A_229 = arith.constant 0.000000e+00 : f32
      %max3A_230 = vector.broadcast %jit3A_229 : f32 to vector<512x512xf32>
      %max3A_231 = arith.maximumf %max3A_230, %sub3A_228 : vector<512x512xf32>
      %min3A_232 = vector.broadcast %add3A_21 : vector<512x1xf32> to vector<512x512xf32>
      %min3A_233 = vector.broadcast %add3A_211 : vector<1x512xf32> to vector<512x512xf32>
      %min3A_234 = arith.minimumf %min3A_232, %min3A_233 : vector<512x512xf32>
      %max3A_235 = vector.broadcast %sub3A_15 : vector<512x1xf32> to vector<512x512xf32>
      %max3A_236 = vector.broadcast %sub3A_205 : vector<1x512xf32> to vector<512x512xf32>
      %max3A_237 = arith.maximumf %max3A_235, %max3A_236 : vector<512x512xf32>
      %sub3A_238 = arith.subf %min3A_234, %max3A_237 : vector<512x512xf32>
      %jit3A_239 = arith.constant 0.000000e+00 : f32
      %max3A_240 = vector.broadcast %jit3A_239 : f32 to vector<512x512xf32>
      %max3A_241 = arith.maximumf %max3A_240, %sub3A_238 : vector<512x512xf32>
      %mul3A_242 = arith.mulf %max3A_231, %max3A_241 : vector<512x512xf32>
      %add3A_243 = vector.broadcast %mul3A_24 : vector<512x1xf32> to vector<512x512xf32>
      %add3A_244 = vector.broadcast %mul3A_214 : vector<1x512xf32> to vector<512x512xf32>
      %add3A_245 = arith.addf %add3A_243, %add3A_244 : vector<512x512xf32>
      %sub3A_246 = arith.subf %add3A_245, %mul3A_242 : vector<512x512xf32>
      %jit3A_247 = arith.constant 9.99999997E-7 : f32
      %max3A_248 = vector.broadcast %jit3A_247 : f32 to vector<512x512xf32>
      %max3A_249 = arith.maximumf %max3A_248, %sub3A_246 : vector<512x512xf32>
      %div3A_250 = arith.divf %mul3A_242, %max3A_249 : vector<512x512xf32>
      %gt3A_251 = arith.constant 3.000000e-01 : f32
      %gt3A_252 = vector.broadcast %gt3A_251 : f32 to vector<512x512xf32>
      %gt3A_253 = arith.cmpf ogt, %div3A_250, %gt3A_252 : vector<512x512xf32>
      %eq3A = vector.broadcast %slice3A_25 : vector<512x1xf32> to vector<512x512xf32>
      %eq3A_254 = vector.broadcast %select_n3A_222 : vector<1x512xf32> to vector<512x512xf32>
      %eq3A_255 = arith.cmpf oeq, %eq3A, %eq3A_254 : vector<512x512xf32>
      %and3A_256 = arith.andi %gt3A_253, %eq3A_255 : vector<512x512xi1>
      %iota3A_257 = tpu.iota {dimensions = array<i32: 1>} : vector<1x512xi32>
      %add3A_258 = vector.broadcast %multiple_of3A : i32 to vector<1x512xi32>
      %add3A_259 = arith.addi %add3A_258, %iota3A_257 : vector<1x512xi32>
      %ge3A_260 = vector.broadcast %add3A_259 : vector<1x512xi32> to vector<512x512xi32>
      %ge3A_261 = vector.broadcast %add3A_32 : vector<512x1xi32> to vector<512x512xi32>
      %ge3A_262 = arith.cmpi sge, %ge3A_260, %ge3A_261 : vector<512x512xi32>
      %not3A = arith.constant dense<true> : vector<512x512xi1>
      %not3A_263 = arith.xori %ge3A_262, %not3A : vector<512x512xi1>
      %and3A_264 = arith.andi %and3A_256, %not3A_263 : vector<512x512xi1>
      %reduce_or3A = arith.constant 1.000000e+00 : f32
      %reduce_or3A_265 = arith.constant 0.000000e+00 : f32
      %reduce_or3A_266 = vector.broadcast %reduce_or3A : f32 to vector<512x512xf32>
      %reduce_or3A_267 = vector.broadcast %reduce_or3A_265 : f32 to vector<512x512xf32>
      %reduce_or3A_268 = arith.select %and3A_264, %reduce_or3A_266, %reduce_or3A_267 : vector<512x512xi1>, vector<512x512xf32>
      %reduce_or3A_269 = arith.constant dense<0xFF800000> : vector<512xf32>
      %reduce_or3A_270 = vector.multi_reduction <maximumf>, %reduce_or3A_268, %reduce_or3A_269 [1] : vector<512x512xf32> to vector<512xf32>
      %reduce_or3A_271 = arith.constant 0.000000e+00 : f32
      %reduce_or3A_272 = vector.broadcast %reduce_or3A_271 : f32 to vector<512xf32>
      %reduce_or3A_273 = arith.cmpf ogt, %reduce_or3A_270, %reduce_or3A_272 : vector<512xf32>
      %broadcast_in_dim3A_274 = vector.shape_cast %reduce_or3A_273 : vector<512xi1> to vector<512x1xi1>
      %get3A_275 = arith.constant 0 : index
      %get3A_276 = arith.constant 0 : index
      %get3A_277 = vector.load %arg7[%get3A_275, %get3A_276] : memref<512x1xf32, #tpu.memory_space<vmem>>, vector<512x1xf32>
      %convert_element_type3A_278 = arith.extui %broadcast_in_dim3A_274 : vector<512x1xi1> to vector<512x1xi32>
      %convert_element_type3A_279 = arith.sitofp %convert_element_type3A_278 : vector<512x1xi32> to vector<512x1xf32>
      %max3A_280 = arith.maximumf %get3A_277, %convert_element_type3A_279 : vector<512x1xf32>
      %swap3A_281 = arith.constant 0 : index
      %swap3A_282 = arith.constant 0 : index
      %swap3A_283 = vector.load %arg7[%swap3A_281, %swap3A_282] : memref<512x1xf32, #tpu.memory_space<vmem>>, vector<512x1xf32>
      tpu.vector_store %arg7[%swap3A_281, %swap3A_282], %max3A_280 {strides = array<i32>} : memref<512x1xf32, #tpu.memory_space<vmem>>, vector<512x1xf32>,
      %and3A_284 = arith.andi %and3A_256, %ge3A_262 : vector<512x512xi1>
      %get3A_285 = arith.constant 0 : index
      %get3A_286 = arith.constant 0 : index
      %get3A_287 = vector.load %arg8[%get3A_285, %get3A_286] : memref<512x1xi32, #tpu.memory_space<vmem>>, vector<512x1xi32>
      %lt3A_288 = arith.constant 16 : i32
      %lt3A_289 = vector.broadcast %lt3A_288 : i32 to vector<512x1xi32>
      %lt3A_290 = arith.cmpi slt, %get3A_287, %lt3A_289 : vector<512x1xi32>
      %and3A_291 = vector.broadcast %lt3A_290 : vector<512x1xi1> to vector<512x512xi1>
      %and3A_292 = arith.andi %and3A_284, %and3A_291 : vector<512x512xi1>
      %broadcast_in_dim3A_293 = vector.shape_cast %add3A_259 : vector<1x512xi32> to vector<1x512xi32>
      %broadcast_in_dim3A_294 = vector.broadcast %broadcast_in_dim3A_293 : vector<1x512xi32> to vector<512x512xi32>
      %convert_element_type3A_295 = arith.extui %and3A_292 : vector<512x512xi1> to vector<512x512xi32>
      %swap3A_296 = arith.constant 0 : index
      %swap3A_297 = arith.constant 0 : index
      %swap3A_298 = vector.load %arg6[%swap3A_296, %swap3A_297] : memref<512x512xi32, #tpu.memory_space<vmem>>, vector<512x512xi32>
      tpu.vector_store %arg6[%swap3A_296, %swap3A_297], %convert_element_type3A_295 {strides = array<i32>} : memref<512x512xi32, #tpu.memory_space<vmem>>, vector<512x512xi32>,
      %convert_element_type3A_299 = arith.extui %and3A_292 : vector<512x512xi1> to vector<512x512xi32>
      %convert_element_type3A_300 = arith.sitofp %convert_element_type3A_299 : vector<512x512xi32> to vector<512x512xf32>
      %reduce_sum3A = vector.shape_cast %convert_element_type3A_300 : vector<512x512xf32> to vector<1x512x512xf32>
      %reduce_sum3A_301 = arith.constant dense<0.000000e+00> : vector<1xf32>
      %reduce_sum3A_302 = vector.multi_reduction <add>, %reduce_sum3A, %reduce_sum3A_301 [1, 2] : vector<1x512x512xf32> to vector<1xf32>
      %reduce_sum3A_303 = vector.shape_cast %reduce_sum3A_302 : vector<1xf32> to vector<1x1x1xf32>
      %reduce_sum3A_304 = vector.extract %reduce_sum3A_303[0, 0, 0] : f32 from vector<1x1x1xf32>
      %while3A_305 = scf.while (%while3A_306 = %reduce_sum3A_304) : (f32) -> f32 {
        %gt3A_307 = arith.constant 0.000000e+00 : f32
        %gt3A_308 = arith.cmpf ogt, %while3A_306, %gt3A_307 : f32
        scf.condition(%gt3A_308) %while3A_306 : f32
      } do {
      ^bb0(%while3A_306: f32):
        %get3A_307 = arith.constant 0 : index
        %get3A_308 = arith.constant 0 : index
        %get3A_309 = vector.load %arg6[%get3A_307, %get3A_308] : memref<512x512xi32, #tpu.memory_space<vmem>>, vector<512x512xi32>
        %gt3A_310 = arith.constant 0 : i32
        %gt3A_311 = vector.broadcast %gt3A_310 : i32 to vector<512x512xi32>
        %gt3A_312 = arith.cmpi sgt, %get3A_309, %gt3A_311 : vector<512x512xi32>
        %broadcast_in_dim3A_313 = vector.broadcast %while3A_141 : i32 to vector<512x512xi32>
        %select_n3A_314 = arith.select %gt3A_312, %broadcast_in_dim3A_294, %broadcast_in_dim3A_313 : vector<512x512xi1>, vector<512x512xi32>
        %reduce_min3A = arith.constant dense<2147483647> : vector<512xi32>
        %reduce_min3A_315 = vector.multi_reduction <minsi>, %select_n3A_314, %reduce_min3A [1] : vector<512x512xi32> to vector<512xi32>
        %broadcast_in_dim3A_316 = vector.shape_cast %reduce_min3A_315 : vector<512xi32> to vector<512x1xi32>
        %lt3A_317 = vector.broadcast %while3A_141 : i32 to vector<512x1xi32>
        %lt3A_318 = arith.cmpi slt, %broadcast_in_dim3A_316, %lt3A_317 : vector<512x1xi32>
        %get3A_319 = arith.constant 0 : index
        %get3A_320 = arith.constant 0 : index
        %get3A_321 = vector.load %arg8[%get3A_319, %get3A_320] : memref<512x1xi32, #tpu.memory_space<vmem>>, vector<512x1xi32>
        %eq3A_322 = vector.broadcast %get3A_321 : vector<512x1xi32> to vector<512x16xi32>
        %eq3A_323 = arith.cmpi eq, %iota3A_33, %eq3A_322 : vector<512x16xi32>
        %and3A_324 = vector.broadcast %lt3A_318 : vector<512x1xi1> to vector<512x16xi1>
        %and3A_325 = arith.andi %eq3A_323, %and3A_324 : vector<512x16xi1>
        %lt3A_326 = arith.constant 16 : i32
        %lt3A_327 = vector.broadcast %lt3A_326 : i32 to vector<512x1xi32>
        %lt3A_328 = arith.cmpi slt, %get3A_321, %lt3A_327 : vector<512x1xi32>
        %and3A_329 = vector.broadcast %lt3A_328 : vector<512x1xi1> to vector<512x16xi1>
        %and3A_330 = arith.andi %and3A_325, %and3A_329 : vector<512x16xi1>
        %broadcast_in_dim3A_331 = vector.shape_cast %broadcast_in_dim3A_316 : vector<512x1xi32> to vector<512x1xi32>
        %broadcast_in_dim3A_332 = vector.broadcast %broadcast_in_dim3A_331 : vector<512x1xi32> to vector<512x16xi32>
        %get3A_333 = arith.constant 0 : index
        %get3A_334 = arith.constant 0 : index
        %get3A_335 = vector.load %arg9[%get3A_333, %get3A_334] : memref<512x16xi32, #tpu.memory_space<vmem>>, vector<512x16xi32>
        %select_n3A_336 = arith.select %and3A_330, %broadcast_in_dim3A_332, %get3A_335 : vector<512x16xi1>, vector<512x16xi32>
        %swap3A_337 = arith.constant 0 : index
        %swap3A_338 = arith.constant 0 : index
        %swap3A_339 = vector.load %arg9[%swap3A_337, %swap3A_338] : memref<512x16xi32, #tpu.memory_space<vmem>>, vector<512x16xi32>
        tpu.vector_store %arg9[%swap3A_337, %swap3A_338], %select_n3A_336 {strides = array<i32>} : memref<512x16xi32, #tpu.memory_space<vmem>>, vector<512x16xi32>,
        %convert_element_type3A_340 = arith.extui %lt3A_318 : vector<512x1xi1> to vector<512x1xi32>
        %add3A_341 = arith.addi %get3A_321, %convert_element_type3A_340 : vector<512x1xi32>
        %swap3A_342 = arith.constant 0 : index
        %swap3A_343 = arith.constant 0 : index
        %swap3A_344 = vector.load %arg8[%swap3A_342, %swap3A_343] : memref<512x1xi32, #tpu.memory_space<vmem>>, vector<512x1xi32>
        tpu.vector_store %arg8[%swap3A_342, %swap3A_343], %add3A_341 {strides = array<i32>} : memref<512x1xi32, #tpu.memory_space<vmem>>, vector<512x1xi32>,
        %ne3A_345 = vector.broadcast %broadcast_in_dim3A_316 : vector<512x1xi32> to vector<512x512xi32>
        %ne3A_346 = arith.cmpi ne, %broadcast_in_dim3A_294, %ne3A_345 : vector<512x512xi32>
        %and3A_347 = arith.andi %gt3A_312, %ne3A_346 : vector<512x512xi1>
        %lt3A_348 = arith.constant 16 : i32
        %lt3A_349 = vector.broadcast %lt3A_348 : i32 to vector<512x1xi32>
        %lt3A_350 = arith.cmpi slt, %add3A_341, %lt3A_349 : vector<512x1xi32>
        %and3A_351 = vector.broadcast %lt3A_350 : vector<512x1xi1> to vector<512x512xi1>
        %and3A_352 = arith.andi %and3A_347, %and3A_351 : vector<512x512xi1>
        %convert_element_type3A_353 = arith.extui %and3A_352 : vector<512x512xi1> to vector<512x512xi32>
        %swap3A_354 = arith.constant 0 : index
        %swap3A_355 = arith.constant 0 : index
        %swap3A_356 = vector.load %arg6[%swap3A_354, %swap3A_355] : memref<512x512xi32, #tpu.memory_space<vmem>>, vector<512x512xi32>
        tpu.vector_store %arg6[%swap3A_354, %swap3A_355], %convert_element_type3A_353 {strides = array<i32>} : memref<512x512xi32, #tpu.memory_space<vmem>>, vector<512x512xi32>,
        %convert_element_type3A_357 = arith.extui %and3A_352 : vector<512x512xi1> to vector<512x512xi32>
        %convert_element_type3A_358 = arith.sitofp %convert_element_type3A_357 : vector<512x512xi32> to vector<512x512xf32>
        %reduce_sum3A_359 = vector.shape_cast %convert_element_type3A_358 : vector<512x512xf32> to vector<1x512x512xf32>
        %reduce_sum3A_360 = arith.constant dense<0.000000e+00> : vector<1xf32>
        %reduce_sum3A_361 = vector.multi_reduction <add>, %reduce_sum3A_359, %reduce_sum3A_360 [1, 2] : vector<1x512x512xf32> to vector<1xf32>
        %reduce_sum3A_362 = vector.shape_cast %reduce_sum3A_361 : vector<1xf32> to vector<1x1x1xf32>
        %reduce_sum3A_363 = vector.extract %reduce_sum3A_362[0, 0, 0] : f32 from vector<1x1x1xf32>
        scf.yield %reduce_sum3A_363 : f32
      }
    }
    %while3A_150 = arith.constant 0 : i32
    %while3A_151 = arith.constant 1073741824 : i32
    %while3A_152 = arith.subi %select_n3A_71, %min3A_130 : i32
    %while3A_153 = arith.addi %min3A_130, %while3A_152 : i32
    %while3A_154 = arith.constant 1 : i32
    %while3A_155 = arith.divsi %while3A_152, %while3A_154 : i32
    %while3A_156 = arith.muli %while3A_155, %while3A_154 : i32
    %while3A_157 = arith.addi %min3A_130, %while3A_156 : i32
    %while3A_158 = arith.constant 1 : i32
    scf.for %while3A_182 = %min3A_130 to %while3A_157 step %while3A_158  : i32 {
      %mul3A_183 = arith.constant 512 : i32
      %mul3A_184 = arith.muli %while3A_182, %mul3A_183 : i32
      %multiple_of3A = tpu.assume_multiple %mul3A_184, 512 : i32
      %get3A_185 = arith.constant 0 : index
      %get3A_186 = arith.index_cast %multiple_of3A : i32 to index
      %get3A_187 = vector.load %arg3[%get3A_185, %get3A_186] : memref<8x5120xf32, #tpu.memory_space<vmem>>, vector<8x512xf32>
      %slice3A_188 = vector.extract_strided_slice %get3A_187 {offsets = [0, 0], sizes = [1, 512], strides = [1, 1]} : vector<8x512xf32> to vector<1x512xf32>
      %slice3A_189 = vector.extract_strided_slice %get3A_187 {offsets = [2, 0], sizes = [1, 512], strides = [1, 1]} : vector<8x512xf32> to vector<1x512xf32>
      %mul3A_190 = arith.constant 5.000000e-01 : f32
      %mul3A_191 = vector.broadcast %mul3A_190 : f32 to vector<1x512xf32>
      %mul3A_192 = arith.mulf %slice3A_189, %mul3A_191 : vector<1x512xf32>
      %sub3A_193 = arith.subf %slice3A_188, %mul3A_192 : vector<1x512xf32>
      %slice3A_194 = vector.extract_strided_slice %get3A_187 {offsets = [0, 0], sizes = [1, 512], strides = [1, 1]} : vector<8x512xf32> to vector<1x512xf32>
      %slice3A_195 = vector.extract_strided_slice %get3A_187 {offsets = [2, 0], sizes = [1, 512], strides = [1, 1]} : vector<8x512xf32> to vector<1x512xf32>
      %mul3A_196 = arith.constant 5.000000e-01 : f32
      %mul3A_197 = vector.broadcast %mul3A_196 : f32 to vector<1x512xf32>
      %mul3A_198 = arith.mulf %slice3A_195, %mul3A_197 : vector<1x512xf32>
      %add3A_199 = arith.addf %slice3A_194, %mul3A_198 : vector<1x512xf32>
      %slice3A_200 = vector.extract_strided_slice %get3A_187 {offsets = [1, 0], sizes = [1, 512], strides = [1, 1]} : vector<8x512xf32> to vector<1x512xf32>
      %slice3A_201 = vector.extract_strided_slice %get3A_187 {offsets = [3, 0], sizes = [1, 512], strides = [1, 1]} : vector<8x512xf32> to vector<1x512xf32>
      %mul3A_202 = arith.constant 5.000000e-01 : f32
      %mul3A_203 = vector.broadcast %mul3A_202 : f32 to vector<1x512xf32>
      %mul3A_204 = arith.mulf %slice3A_201, %mul3A_203 : vector<1x512xf32>
      %sub3A_205 = arith.subf %slice3A_200, %mul3A_204 : vector<1x512xf32>
      %slice3A_206 = vector.extract_strided_slice %get3A_187 {offsets = [1, 0], sizes = [1, 512], strides = [1, 1]} : vector<8x512xf32> to vector<1x512xf32>
      %slice3A_207 = vector.extract_strided_slice %get3A_187 {offsets = [3, 0], sizes = [1, 512], strides = [1, 1]} : vector<8x512xf32> to vector<1x512xf32>
      %mul3A_208 = arith.constant 5.000000e-01 : f32
      %mul3A_209 = vector.broadcast %mul3A_208 : f32 to vector<1x512xf32>
      %mul3A_210 = arith.mulf %slice3A_207, %mul3A_209 : vector<1x512xf32>
      %add3A_211 = arith.addf %slice3A_206, %mul3A_210 : vector<1x512xf32>
      %slice3A_212 = vector.extract_strided_slice %get3A_187 {offsets = [2, 0], sizes = [1, 512], strides = [1, 1]} : vector<8x512xf32> to vector<1x512xf32>
      %slice3A_213 = vector.extract_strided_slice %get3A_187 {offsets = [3, 0], sizes = [1, 512], strides = [1, 1]} : vector<8x512xf32> to vector<1x512xf32>
      %mul3A_214 = arith.mulf %slice3A_212, %slice3A_213 : vector<1x512xf32>
      %slice3A_215 = vector.extract_strided_slice %get3A_187 {offsets = [5, 0], sizes = [1, 512], strides = [1, 1]} : vector<8x512xf32> to vector<1x512xf32>
      %gt3A_216 = arith.constant 2.000000e-01 : f32
      %gt3A_217 = vector.broadcast %gt3A_216 : f32 to vector<1x512xf32>
      %gt3A_218 = arith.cmpf ogt, %slice3A_215, %gt3A_217 : vector<1x512xf32>
      %slice3A_219 = vector.extract_strided_slice %get3A_187 {offsets = [4, 0], sizes = [1, 512], strides = [1, 1]} : vector<8x512xf32> to vector<1x512xf32>
      %jit3A_220 = arith.constant -2.000000e+00 : f32
      %broadcast_in_dim3A_221 = vector.broadcast %jit3A_220 : f32 to vector<1x512xf32>
      %select_n3A_222 = arith.select %gt3A_218, %slice3A_219, %broadcast_in_dim3A_221 : vector<1x512xi1>, vector<1x512xf32>
      %min3A_223 = vector.broadcast %add3A : vector<512x1xf32> to vector<512x512xf32>
      %min3A_224 = vector.broadcast %add3A_199 : vector<1x512xf32> to vector<512x512xf32>
      %min3A_225 = arith.minimumf %min3A_223, %min3A_224 : vector<512x512xf32>
      %max3A = vector.broadcast %sub3A : vector<512x1xf32> to vector<512x512xf32>
      %max3A_226 = vector.broadcast %sub3A_193 : vector<1x512xf32> to vector<512x512xf32>
      %max3A_227 = arith.maximumf %max3A, %max3A_226 : vector<512x512xf32>
      %sub3A_228 = arith.subf %min3A_225, %max3A_227 : vector<512x512xf32>
      %jit3A_229 = arith.constant 0.000000e+00 : f32
      %max3A_230 = vector.broadcast %jit3A_229 : f32 to vector<512x512xf32>
      %max3A_231 = arith.maximumf %max3A_230, %sub3A_228 : vector<512x512xf32>
      %min3A_232 = vector.broadcast %add3A_21 : vector<512x1xf32> to vector<512x512xf32>
      %min3A_233 = vector.broadcast %add3A_211 : vector<1x512xf32> to vector<512x512xf32>
      %min3A_234 = arith.minimumf %min3A_232, %min3A_233 : vector<512x512xf32>
      %max3A_235 = vector.broadcast %sub3A_15 : vector<512x1xf32> to vector<512x512xf32>
      %max3A_236 = vector.broadcast %sub3A_205 : vector<1x512xf32> to vector<512x512xf32>
      %max3A_237 = arith.maximumf %max3A_235, %max3A_236 : vector<512x512xf32>
      %sub3A_238 = arith.subf %min3A_234, %max3A_237 : vector<512x512xf32>
      %jit3A_239 = arith.constant 0.000000e+00 : f32
      %max3A_240 = vector.broadcast %jit3A_239 : f32 to vector<512x512xf32>
      %max3A_241 = arith.maximumf %max3A_240, %sub3A_238 : vector<512x512xf32>
      %mul3A_242 = arith.mulf %max3A_231, %max3A_241 : vector<512x512xf32>
      %add3A_243 = vector.broadcast %mul3A_24 : vector<512x1xf32> to vector<512x512xf32>
      %add3A_244 = vector.broadcast %mul3A_214 : vector<1x512xf32> to vector<512x512xf32>
      %add3A_245 = arith.addf %add3A_243, %add3A_244 : vector<512x512xf32>
      %sub3A_246 = arith.subf %add3A_245, %mul3A_242 : vector<512x512xf32>
      %jit3A_247 = arith.constant 9.99999997E-7 : f32
      %max3A_248 = vector.broadcast %jit3A_247 : f32 to vector<512x512xf32>
      %max3A_249 = arith.maximumf %max3A_248, %sub3A_246 : vector<512x512xf32>
      %div3A_250 = arith.divf %mul3A_242, %max3A_249 : vector<512x512xf32>
      %gt3A_251 = arith.constant 3.000000e-01 : f32
      %gt3A_252 = vector.broadcast %gt3A_251 : f32 to vector<512x512xf32>
      %gt3A_253 = arith.cmpf ogt, %div3A_250, %gt3A_252 : vector<512x512xf32>
      %eq3A = vector.broadcast %slice3A_25 : vector<512x1xf32> to vector<512x512xf32>
      %eq3A_254 = vector.broadcast %select_n3A_222 : vector<1x512xf32> to vector<512x512xf32>
      %eq3A_255 = arith.cmpf oeq, %eq3A, %eq3A_254 : vector<512x512xf32>
      %and3A_256 = arith.andi %gt3A_253, %eq3A_255 : vector<512x512xi1>
      %iota3A_257 = tpu.iota {dimensions = array<i32: 1>} : vector<1x512xi32>
      %add3A_258 = vector.broadcast %multiple_of3A : i32 to vector<1x512xi32>
      %add3A_259 = arith.addi %add3A_258, %iota3A_257 : vector<1x512xi32>
      %get3A_260 = arith.constant 0 : index
      %get3A_261 = arith.constant 0 : index
      %get3A_262 = vector.load %arg8[%get3A_260, %get3A_261] : memref<512x1xi32, #tpu.memory_space<vmem>>, vector<512x1xi32>
      %lt3A_263 = arith.constant 16 : i32
      %lt3A_264 = vector.broadcast %lt3A_263 : i32 to vector<512x1xi32>
      %lt3A_265 = arith.cmpi slt, %get3A_262, %lt3A_264 : vector<512x1xi32>
      %and3A_266 = vector.broadcast %lt3A_265 : vector<512x1xi1> to vector<512x512xi1>
      %and3A_267 = arith.andi %and3A_256, %and3A_266 : vector<512x512xi1>
      %broadcast_in_dim3A_268 = vector.shape_cast %add3A_259 : vector<1x512xi32> to vector<1x512xi32>
      %broadcast_in_dim3A_269 = vector.broadcast %broadcast_in_dim3A_268 : vector<1x512xi32> to vector<512x512xi32>
      %convert_element_type3A_270 = arith.extui %and3A_267 : vector<512x512xi1> to vector<512x512xi32>
      %swap3A_271 = arith.constant 0 : index
      %swap3A_272 = arith.constant 0 : index
      %swap3A_273 = vector.load %arg6[%swap3A_271, %swap3A_272] : memref<512x512xi32, #tpu.memory_space<vmem>>, vector<512x512xi32>
      tpu.vector_store %arg6[%swap3A_271, %swap3A_272], %convert_element_type3A_270 {strides = array<i32>} : memref<512x512xi32, #tpu.memory_space<vmem>>, vector<512x512xi32>,
      %convert_element_type3A_274 = arith.extui %and3A_267 : vector<512x512xi1> to vector<512x512xi32>
      %convert_element_type3A_275 = arith.sitofp %convert_element_type3A_274 : vector<512x512xi32> to vector<512x512xf32>
      %reduce_sum3A = vector.shape_cast %convert_element_type3A_275 : vector<512x512xf32> to vector<1x512x512xf32>
      %reduce_sum3A_276 = arith.constant dense<0.000000e+00> : vector<1xf32>
      %reduce_sum3A_277 = vector.multi_reduction <add>, %reduce_sum3A, %reduce_sum3A_276 [1, 2] : vector<1x512x512xf32> to vector<1xf32>
      %reduce_sum3A_278 = vector.shape_cast %reduce_sum3A_277 : vector<1xf32> to vector<1x1x1xf32>
      %reduce_sum3A_279 = vector.extract %reduce_sum3A_278[0, 0, 0] : f32 from vector<1x1x1xf32>
      %while3A_280 = scf.while (%while3A_281 = %reduce_sum3A_279) : (f32) -> f32 {
        %gt3A_282 = arith.constant 0.000000e+00 : f32
        %gt3A_283 = arith.cmpf ogt, %while3A_281, %gt3A_282 : f32
        scf.condition(%gt3A_283) %while3A_281 : f32
      } do {
      ^bb0(%while3A_281: f32):
        %get3A_282 = arith.constant 0 : index
        %get3A_283 = arith.constant 0 : index
        %get3A_284 = vector.load %arg6[%get3A_282, %get3A_283] : memref<512x512xi32, #tpu.memory_space<vmem>>, vector<512x512xi32>
        %gt3A_285 = arith.constant 0 : i32
        %gt3A_286 = vector.broadcast %gt3A_285 : i32 to vector<512x512xi32>
        %gt3A_287 = arith.cmpi sgt, %get3A_284, %gt3A_286 : vector<512x512xi32>
        %broadcast_in_dim3A_288 = vector.broadcast %while3A_151 : i32 to vector<512x512xi32>
        %select_n3A_289 = arith.select %gt3A_287, %broadcast_in_dim3A_269, %broadcast_in_dim3A_288 : vector<512x512xi1>, vector<512x512xi32>
        %reduce_min3A = arith.constant dense<2147483647> : vector<512xi32>
        %reduce_min3A_290 = vector.multi_reduction <minsi>, %select_n3A_289, %reduce_min3A [1] : vector<512x512xi32> to vector<512xi32>
        %broadcast_in_dim3A_291 = vector.shape_cast %reduce_min3A_290 : vector<512xi32> to vector<512x1xi32>
        %lt3A_292 = vector.broadcast %while3A_151 : i32 to vector<512x1xi32>
        %lt3A_293 = arith.cmpi slt, %broadcast_in_dim3A_291, %lt3A_292 : vector<512x1xi32>
        %get3A_294 = arith.constant 0 : index
        %get3A_295 = arith.constant 0 : index
        %get3A_296 = vector.load %arg8[%get3A_294, %get3A_295] : memref<512x1xi32, #tpu.memory_space<vmem>>, vector<512x1xi32>
        %eq3A_297 = vector.broadcast %get3A_296 : vector<512x1xi32> to vector<512x16xi32>
        %eq3A_298 = arith.cmpi eq, %iota3A_33, %eq3A_297 : vector<512x16xi32>
        %and3A_299 = vector.broadcast %lt3A_293 : vector<512x1xi1> to vector<512x16xi1>
        %and3A_300 = arith.andi %eq3A_298, %and3A_299 : vector<512x16xi1>
        %lt3A_301 = arith.constant 16 : i32
        %lt3A_302 = vector.broadcast %lt3A_301 : i32 to vector<512x1xi32>
        %lt3A_303 = arith.cmpi slt, %get3A_296, %lt3A_302 : vector<512x1xi32>
        %and3A_304 = vector.broadcast %lt3A_303 : vector<512x1xi1> to vector<512x16xi1>
        %and3A_305 = arith.andi %and3A_300, %and3A_304 : vector<512x16xi1>
        %broadcast_in_dim3A_306 = vector.shape_cast %broadcast_in_dim3A_291 : vector<512x1xi32> to vector<512x1xi32>
        %broadcast_in_dim3A_307 = vector.broadcast %broadcast_in_dim3A_306 : vector<512x1xi32> to vector<512x16xi32>
        %get3A_308 = arith.constant 0 : index
        %get3A_309 = arith.constant 0 : index
        %get3A_310 = vector.load %arg9[%get3A_308, %get3A_309] : memref<512x16xi32, #tpu.memory_space<vmem>>, vector<512x16xi32>
        %select_n3A_311 = arith.select %and3A_305, %broadcast_in_dim3A_307, %get3A_310 : vector<512x16xi1>, vector<512x16xi32>
        %swap3A_312 = arith.constant 0 : index
        %swap3A_313 = arith.constant 0 : index
        %swap3A_314 = vector.load %arg9[%swap3A_312, %swap3A_313] : memref<512x16xi32, #tpu.memory_space<vmem>>, vector<512x16xi32>
        tpu.vector_store %arg9[%swap3A_312, %swap3A_313], %select_n3A_311 {strides = array<i32>} : memref<512x16xi32, #tpu.memory_space<vmem>>, vector<512x16xi32>,
        %convert_element_type3A_315 = arith.extui %lt3A_293 : vector<512x1xi1> to vector<512x1xi32>
        %add3A_316 = arith.addi %get3A_296, %convert_element_type3A_315 : vector<512x1xi32>
        %swap3A_317 = arith.constant 0 : index
        %swap3A_318 = arith.constant 0 : index
        %swap3A_319 = vector.load %arg8[%swap3A_317, %swap3A_318] : memref<512x1xi32, #tpu.memory_space<vmem>>, vector<512x1xi32>
        tpu.vector_store %arg8[%swap3A_317, %swap3A_318], %add3A_316 {strides = array<i32>} : memref<512x1xi32, #tpu.memory_space<vmem>>, vector<512x1xi32>,
        %ne3A_320 = vector.broadcast %broadcast_in_dim3A_291 : vector<512x1xi32> to vector<512x512xi32>
        %ne3A_321 = arith.cmpi ne, %broadcast_in_dim3A_269, %ne3A_320 : vector<512x512xi32>
        %and3A_322 = arith.andi %gt3A_287, %ne3A_321 : vector<512x512xi1>
        %lt3A_323 = arith.constant 16 : i32
        %lt3A_324 = vector.broadcast %lt3A_323 : i32 to vector<512x1xi32>
        %lt3A_325 = arith.cmpi slt, %add3A_316, %lt3A_324 : vector<512x1xi32>
        %and3A_326 = vector.broadcast %lt3A_325 : vector<512x1xi1> to vector<512x512xi1>
        %and3A_327 = arith.andi %and3A_322, %and3A_326 : vector<512x512xi1>
        %convert_element_type3A_328 = arith.extui %and3A_327 : vector<512x512xi1> to vector<512x512xi32>
        %swap3A_329 = arith.constant 0 : index
        %swap3A_330 = arith.constant 0 : index
        %swap3A_331 = vector.load %arg6[%swap3A_329, %swap3A_330] : memref<512x512xi32, #tpu.memory_space<vmem>>, vector<512x512xi32>
        tpu.vector_store %arg6[%swap3A_329, %swap3A_330], %convert_element_type3A_328 {strides = array<i32>} : memref<512x512xi32, #tpu.memory_space<vmem>>, vector<512x512xi32>,
        %convert_element_type3A_332 = arith.extui %and3A_327 : vector<512x512xi1> to vector<512x512xi32>
        %convert_element_type3A_333 = arith.sitofp %convert_element_type3A_332 : vector<512x512xi32> to vector<512x512xf32>
        %reduce_sum3A_334 = vector.shape_cast %convert_element_type3A_333 : vector<512x512xf32> to vector<1x512x512xf32>
        %reduce_sum3A_335 = arith.constant dense<0.000000e+00> : vector<1xf32>
        %reduce_sum3A_336 = vector.multi_reduction <add>, %reduce_sum3A_334, %reduce_sum3A_335 [1, 2] : vector<1x512x512xf32> to vector<1xf32>
        %reduce_sum3A_337 = vector.shape_cast %reduce_sum3A_336 : vector<1xf32> to vector<1x1x1xf32>
        %reduce_sum3A_338 = vector.extract %reduce_sum3A_337[0, 0, 0] : f32 from vector<1x1x1xf32>
        scf.yield %reduce_sum3A_338 : f32
      }
    }
    %while3A_159 = arith.constant 1 : i32
    scf.for %while3A_182 = %while3A_157 to %while3A_153 step %while3A_159  : i32 {
      %mul3A_183 = arith.constant 512 : i32
      %mul3A_184 = arith.muli %while3A_182, %mul3A_183 : i32
      %multiple_of3A = tpu.assume_multiple %mul3A_184, 512 : i32
      %get3A_185 = arith.constant 0 : index
      %get3A_186 = arith.index_cast %multiple_of3A : i32 to index
      %get3A_187 = vector.load %arg3[%get3A_185, %get3A_186] : memref<8x5120xf32, #tpu.memory_space<vmem>>, vector<8x512xf32>
      %slice3A_188 = vector.extract_strided_slice %get3A_187 {offsets = [0, 0], sizes = [1, 512], strides = [1, 1]} : vector<8x512xf32> to vector<1x512xf32>
      %slice3A_189 = vector.extract_strided_slice %get3A_187 {offsets = [2, 0], sizes = [1, 512], strides = [1, 1]} : vector<8x512xf32> to vector<1x512xf32>
      %mul3A_190 = arith.constant 5.000000e-01 : f32
      %mul3A_191 = vector.broadcast %mul3A_190 : f32 to vector<1x512xf32>
      %mul3A_192 = arith.mulf %slice3A_189, %mul3A_191 : vector<1x512xf32>
      %sub3A_193 = arith.subf %slice3A_188, %mul3A_192 : vector<1x512xf32>
      %slice3A_194 = vector.extract_strided_slice %get3A_187 {offsets = [0, 0], sizes = [1, 512], strides = [1, 1]} : vector<8x512xf32> to vector<1x512xf32>
      %slice3A_195 = vector.extract_strided_slice %get3A_187 {offsets = [2, 0], sizes = [1, 512], strides = [1, 1]} : vector<8x512xf32> to vector<1x512xf32>
      %mul3A_196 = arith.constant 5.000000e-01 : f32
      %mul3A_197 = vector.broadcast %mul3A_196 : f32 to vector<1x512xf32>
      %mul3A_198 = arith.mulf %slice3A_195, %mul3A_197 : vector<1x512xf32>
      %add3A_199 = arith.addf %slice3A_194, %mul3A_198 : vector<1x512xf32>
      %slice3A_200 = vector.extract_strided_slice %get3A_187 {offsets = [1, 0], sizes = [1, 512], strides = [1, 1]} : vector<8x512xf32> to vector<1x512xf32>
      %slice3A_201 = vector.extract_strided_slice %get3A_187 {offsets = [3, 0], sizes = [1, 512], strides = [1, 1]} : vector<8x512xf32> to vector<1x512xf32>
      %mul3A_202 = arith.constant 5.000000e-01 : f32
      %mul3A_203 = vector.broadcast %mul3A_202 : f32 to vector<1x512xf32>
      %mul3A_204 = arith.mulf %slice3A_201, %mul3A_203 : vector<1x512xf32>
      %sub3A_205 = arith.subf %slice3A_200, %mul3A_204 : vector<1x512xf32>
      %slice3A_206 = vector.extract_strided_slice %get3A_187 {offsets = [1, 0], sizes = [1, 512], strides = [1, 1]} : vector<8x512xf32> to vector<1x512xf32>
      %slice3A_207 = vector.extract_strided_slice %get3A_187 {offsets = [3, 0], sizes = [1, 512], strides = [1, 1]} : vector<8x512xf32> to vector<1x512xf32>
      %mul3A_208 = arith.constant 5.000000e-01 : f32
      %mul3A_209 = vector.broadcast %mul3A_208 : f32 to vector<1x512xf32>
      %mul3A_210 = arith.mulf %slice3A_207, %mul3A_209 : vector<1x512xf32>
      %add3A_211 = arith.addf %slice3A_206, %mul3A_210 : vector<1x512xf32>
      %slice3A_212 = vector.extract_strided_slice %get3A_187 {offsets = [2, 0], sizes = [1, 512], strides = [1, 1]} : vector<8x512xf32> to vector<1x512xf32>
      %slice3A_213 = vector.extract_strided_slice %get3A_187 {offsets = [3, 0], sizes = [1, 512], strides = [1, 1]} : vector<8x512xf32> to vector<1x512xf32>
      %mul3A_214 = arith.mulf %slice3A_212, %slice3A_213 : vector<1x512xf32>
      %slice3A_215 = vector.extract_strided_slice %get3A_187 {offsets = [5, 0], sizes = [1, 512], strides = [1, 1]} : vector<8x512xf32> to vector<1x512xf32>
      %gt3A_216 = arith.constant 2.000000e-01 : f32
      %gt3A_217 = vector.broadcast %gt3A_216 : f32 to vector<1x512xf32>
      %gt3A_218 = arith.cmpf ogt, %slice3A_215, %gt3A_217 : vector<1x512xf32>
      %slice3A_219 = vector.extract_strided_slice %get3A_187 {offsets = [4, 0], sizes = [1, 512], strides = [1, 1]} : vector<8x512xf32> to vector<1x512xf32>
      %jit3A_220 = arith.constant -2.000000e+00 : f32
      %broadcast_in_dim3A_221 = vector.broadcast %jit3A_220 : f32 to vector<1x512xf32>
      %select_n3A_222 = arith.select %gt3A_218, %slice3A_219, %broadcast_in_dim3A_221 : vector<1x512xi1>, vector<1x512xf32>
      %min3A_223 = vector.broadcast %add3A : vector<512x1xf32> to vector<512x512xf32>
      %min3A_224 = vector.broadcast %add3A_199 : vector<1x512xf32> to vector<512x512xf32>
      %min3A_225 = arith.minimumf %min3A_223, %min3A_224 : vector<512x512xf32>
      %max3A = vector.broadcast %sub3A : vector<512x1xf32> to vector<512x512xf32>
      %max3A_226 = vector.broadcast %sub3A_193 : vector<1x512xf32> to vector<512x512xf32>
      %max3A_227 = arith.maximumf %max3A, %max3A_226 : vector<512x512xf32>
      %sub3A_228 = arith.subf %min3A_225, %max3A_227 : vector<512x512xf32>
      %jit3A_229 = arith.constant 0.000000e+00 : f32
      %max3A_230 = vector.broadcast %jit3A_229 : f32 to vector<512x512xf32>
      %max3A_231 = arith.maximumf %max3A_230, %sub3A_228 : vector<512x512xf32>
      %min3A_232 = vector.broadcast %add3A_21 : vector<512x1xf32> to vector<512x512xf32>
      %min3A_233 = vector.broadcast %add3A_211 : vector<1x512xf32> to vector<512x512xf32>
      %min3A_234 = arith.minimumf %min3A_232, %min3A_233 : vector<512x512xf32>
      %max3A_235 = vector.broadcast %sub3A_15 : vector<512x1xf32> to vector<512x512xf32>
      %max3A_236 = vector.broadcast %sub3A_205 : vector<1x512xf32> to vector<512x512xf32>
      %max3A_237 = arith.maximumf %max3A_235, %max3A_236 : vector<512x512xf32>
      %sub3A_238 = arith.subf %min3A_234, %max3A_237 : vector<512x512xf32>
      %jit3A_239 = arith.constant 0.000000e+00 : f32
      %max3A_240 = vector.broadcast %jit3A_239 : f32 to vector<512x512xf32>
      %max3A_241 = arith.maximumf %max3A_240, %sub3A_238 : vector<512x512xf32>
      %mul3A_242 = arith.mulf %max3A_231, %max3A_241 : vector<512x512xf32>
      %add3A_243 = vector.broadcast %mul3A_24 : vector<512x1xf32> to vector<512x512xf32>
      %add3A_244 = vector.broadcast %mul3A_214 : vector<1x512xf32> to vector<512x512xf32>
      %add3A_245 = arith.addf %add3A_243, %add3A_244 : vector<512x512xf32>
      %sub3A_246 = arith.subf %add3A_245, %mul3A_242 : vector<512x512xf32>
      %jit3A_247 = arith.constant 9.99999997E-7 : f32
      %max3A_248 = vector.broadcast %jit3A_247 : f32 to vector<512x512xf32>
      %max3A_249 = arith.maximumf %max3A_248, %sub3A_246 : vector<512x512xf32>
      %div3A_250 = arith.divf %mul3A_242, %max3A_249 : vector<512x512xf32>
      %gt3A_251 = arith.constant 3.000000e-01 : f32
      %gt3A_252 = vector.broadcast %gt3A_251 : f32 to vector<512x512xf32>
      %gt3A_253 = arith.cmpf ogt, %div3A_250, %gt3A_252 : vector<512x512xf32>
      %eq3A = vector.broadcast %slice3A_25 : vector<512x1xf32> to vector<512x512xf32>
      %eq3A_254 = vector.broadcast %select_n3A_222 : vector<1x512xf32> to vector<512x512xf32>
      %eq3A_255 = arith.cmpf oeq, %eq3A, %eq3A_254 : vector<512x512xf32>
      %and3A_256 = arith.andi %gt3A_253, %eq3A_255 : vector<512x512xi1>
      %iota3A_257 = tpu.iota {dimensions = array<i32: 1>} : vector<1x512xi32>
      %add3A_258 = vector.broadcast %multiple_of3A : i32 to vector<1x512xi32>
      %add3A_259 = arith.addi %add3A_258, %iota3A_257 : vector<1x512xi32>
      %get3A_260 = arith.constant 0 : index
      %get3A_261 = arith.constant 0 : index
      %get3A_262 = vector.load %arg8[%get3A_260, %get3A_261] : memref<512x1xi32, #tpu.memory_space<vmem>>, vector<512x1xi32>
      %lt3A_263 = arith.constant 16 : i32
      %lt3A_264 = vector.broadcast %lt3A_263 : i32 to vector<512x1xi32>
      %lt3A_265 = arith.cmpi slt, %get3A_262, %lt3A_264 : vector<512x1xi32>
      %and3A_266 = vector.broadcast %lt3A_265 : vector<512x1xi1> to vector<512x512xi1>
      %and3A_267 = arith.andi %and3A_256, %and3A_266 : vector<512x512xi1>
      %broadcast_in_dim3A_268 = vector.shape_cast %add3A_259 : vector<1x512xi32> to vector<1x512xi32>
      %broadcast_in_dim3A_269 = vector.broadcast %broadcast_in_dim3A_268 : vector<1x512xi32> to vector<512x512xi32>
      %convert_element_type3A_270 = arith.extui %and3A_267 : vector<512x512xi1> to vector<512x512xi32>
      %swap3A_271 = arith.constant 0 : index
      %swap3A_272 = arith.constant 0 : index
      %swap3A_273 = vector.load %arg6[%swap3A_271, %swap3A_272] : memref<512x512xi32, #tpu.memory_space<vmem>>, vector<512x512xi32>
      tpu.vector_store %arg6[%swap3A_271, %swap3A_272], %convert_element_type3A_270 {strides = array<i32>} : memref<512x512xi32, #tpu.memory_space<vmem>>, vector<512x512xi32>,
      %convert_element_type3A_274 = arith.extui %and3A_267 : vector<512x512xi1> to vector<512x512xi32>
      %convert_element_type3A_275 = arith.sitofp %convert_element_type3A_274 : vector<512x512xi32> to vector<512x512xf32>
      %reduce_sum3A = vector.shape_cast %convert_element_type3A_275 : vector<512x512xf32> to vector<1x512x512xf32>
      %reduce_sum3A_276 = arith.constant dense<0.000000e+00> : vector<1xf32>
      %reduce_sum3A_277 = vector.multi_reduction <add>, %reduce_sum3A, %reduce_sum3A_276 [1, 2] : vector<1x512x512xf32> to vector<1xf32>
      %reduce_sum3A_278 = vector.shape_cast %reduce_sum3A_277 : vector<1xf32> to vector<1x1x1xf32>
      %reduce_sum3A_279 = vector.extract %reduce_sum3A_278[0, 0, 0] : f32 from vector<1x1x1xf32>
      %while3A_280 = scf.while (%while3A_281 = %reduce_sum3A_279) : (f32) -> f32 {
        %gt3A_282 = arith.constant 0.000000e+00 : f32
        %gt3A_283 = arith.cmpf ogt, %while3A_281, %gt3A_282 : f32
        scf.condition(%gt3A_283) %while3A_281 : f32
      } do {
      ^bb0(%while3A_281: f32):
        %get3A_282 = arith.constant 0 : index
        %get3A_283 = arith.constant 0 : index
        %get3A_284 = vector.load %arg6[%get3A_282, %get3A_283] : memref<512x512xi32, #tpu.memory_space<vmem>>, vector<512x512xi32>
        %gt3A_285 = arith.constant 0 : i32
        %gt3A_286 = vector.broadcast %gt3A_285 : i32 to vector<512x512xi32>
        %gt3A_287 = arith.cmpi sgt, %get3A_284, %gt3A_286 : vector<512x512xi32>
        %broadcast_in_dim3A_288 = vector.broadcast %while3A_151 : i32 to vector<512x512xi32>
        %select_n3A_289 = arith.select %gt3A_287, %broadcast_in_dim3A_269, %broadcast_in_dim3A_288 : vector<512x512xi1>, vector<512x512xi32>
        %reduce_min3A = arith.constant dense<2147483647> : vector<512xi32>
        %reduce_min3A_290 = vector.multi_reduction <minsi>, %select_n3A_289, %reduce_min3A [1] : vector<512x512xi32> to vector<512xi32>
        %broadcast_in_dim3A_291 = vector.shape_cast %reduce_min3A_290 : vector<512xi32> to vector<512x1xi32>
        %lt3A_292 = vector.broadcast %while3A_151 : i32 to vector<512x1xi32>
        %lt3A_293 = arith.cmpi slt, %broadcast_in_dim3A_291, %lt3A_292 : vector<512x1xi32>
        %get3A_294 = arith.constant 0 : index
        %get3A_295 = arith.constant 0 : index
        %get3A_296 = vector.load %arg8[%get3A_294, %get3A_295] : memref<512x1xi32, #tpu.memory_space<vmem>>, vector<512x1xi32>
        %eq3A_297 = vector.broadcast %get3A_296 : vector<512x1xi32> to vector<512x16xi32>
        %eq3A_298 = arith.cmpi eq, %iota3A_33, %eq3A_297 : vector<512x16xi32>
        %and3A_299 = vector.broadcast %lt3A_293 : vector<512x1xi1> to vector<512x16xi1>
        %and3A_300 = arith.andi %eq3A_298, %and3A_299 : vector<512x16xi1>
        %lt3A_301 = arith.constant 16 : i32
        %lt3A_302 = vector.broadcast %lt3A_301 : i32 to vector<512x1xi32>
        %lt3A_303 = arith.cmpi slt, %get3A_296, %lt3A_302 : vector<512x1xi32>
        %and3A_304 = vector.broadcast %lt3A_303 : vector<512x1xi1> to vector<512x16xi1>
        %and3A_305 = arith.andi %and3A_300, %and3A_304 : vector<512x16xi1>
        %broadcast_in_dim3A_306 = vector.shape_cast %broadcast_in_dim3A_291 : vector<512x1xi32> to vector<512x1xi32>
        %broadcast_in_dim3A_307 = vector.broadcast %broadcast_in_dim3A_306 : vector<512x1xi32> to vector<512x16xi32>
        %get3A_308 = arith.constant 0 : index
        %get3A_309 = arith.constant 0 : index
        %get3A_310 = vector.load %arg9[%get3A_308, %get3A_309] : memref<512x16xi32, #tpu.memory_space<vmem>>, vector<512x16xi32>
        %select_n3A_311 = arith.select %and3A_305, %broadcast_in_dim3A_307, %get3A_310 : vector<512x16xi1>, vector<512x16xi32>
        %swap3A_312 = arith.constant 0 : index
        %swap3A_313 = arith.constant 0 : index
        %swap3A_314 = vector.load %arg9[%swap3A_312, %swap3A_313] : memref<512x16xi32, #tpu.memory_space<vmem>>, vector<512x16xi32>
        tpu.vector_store %arg9[%swap3A_312, %swap3A_313], %select_n3A_311 {strides = array<i32>} : memref<512x16xi32, #tpu.memory_space<vmem>>, vector<512x16xi32>,
        %convert_element_type3A_315 = arith.extui %lt3A_293 : vector<512x1xi1> to vector<512x1xi32>
        %add3A_316 = arith.addi %get3A_296, %convert_element_type3A_315 : vector<512x1xi32>
        %swap3A_317 = arith.constant 0 : index
        %swap3A_318 = arith.constant 0 : index
        %swap3A_319 = vector.load %arg8[%swap3A_317, %swap3A_318] : memref<512x1xi32, #tpu.memory_space<vmem>>, vector<512x1xi32>
        tpu.vector_store %arg8[%swap3A_317, %swap3A_318], %add3A_316 {strides = array<i32>} : memref<512x1xi32, #tpu.memory_space<vmem>>, vector<512x1xi32>,
        %ne3A_320 = vector.broadcast %broadcast_in_dim3A_291 : vector<512x1xi32> to vector<512x512xi32>
        %ne3A_321 = arith.cmpi ne, %broadcast_in_dim3A_269, %ne3A_320 : vector<512x512xi32>
        %and3A_322 = arith.andi %gt3A_287, %ne3A_321 : vector<512x512xi1>
        %lt3A_323 = arith.constant 16 : i32
        %lt3A_324 = vector.broadcast %lt3A_323 : i32 to vector<512x1xi32>
        %lt3A_325 = arith.cmpi slt, %add3A_316, %lt3A_324 : vector<512x1xi32>
        %and3A_326 = vector.broadcast %lt3A_325 : vector<512x1xi1> to vector<512x512xi1>
        %and3A_327 = arith.andi %and3A_322, %and3A_326 : vector<512x512xi1>
        %convert_element_type3A_328 = arith.extui %and3A_327 : vector<512x512xi1> to vector<512x512xi32>
        %swap3A_329 = arith.constant 0 : index
        %swap3A_330 = arith.constant 0 : index
        %swap3A_331 = vector.load %arg6[%swap3A_329, %swap3A_330] : memref<512x512xi32, #tpu.memory_space<vmem>>, vector<512x512xi32>
        tpu.vector_store %arg6[%swap3A_329, %swap3A_330], %convert_element_type3A_328 {strides = array<i32>} : memref<512x512xi32, #tpu.memory_space<vmem>>, vector<512x512xi32>,
        %convert_element_type3A_332 = arith.extui %and3A_327 : vector<512x512xi1> to vector<512x512xi32>
        %convert_element_type3A_333 = arith.sitofp %convert_element_type3A_332 : vector<512x512xi32> to vector<512x512xf32>
        %reduce_sum3A_334 = vector.shape_cast %convert_element_type3A_333 : vector<512x512xf32> to vector<1x512x512xf32>
        %reduce_sum3A_335 = arith.constant dense<0.000000e+00> : vector<1xf32>
        %reduce_sum3A_336 = vector.multi_reduction <add>, %reduce_sum3A_334, %reduce_sum3A_335 [1, 2] : vector<1x512x512xf32> to vector<1xf32>
        %reduce_sum3A_337 = vector.shape_cast %reduce_sum3A_336 : vector<1xf32> to vector<1x1x1xf32>
        %reduce_sum3A_338 = vector.extract %reduce_sum3A_337[0, 0, 0] : f32 from vector<1x1x1xf32>
        scf.yield %reduce_sum3A_338 : f32
      }
    }
    %get3A_160 = arith.constant 0 : index
    %get3A_161 = arith.constant 0 : index
    %get3A_162 = vector.load %arg7[%get3A_160, %get3A_161] : memref<512x1xf32, #tpu.memory_space<vmem>>, vector<512x1xf32>
    %lt3A = arith.constant 5.000000e-01 : f32
    %lt3A_163 = vector.broadcast %lt3A : f32 to vector<512x1xf32>
    %lt3A_164 = arith.cmpf olt, %get3A_162, %lt3A_163 : vector<512x1xf32>
    %and3A_165 = arith.andi %gt3A_28, %lt3A_164 : vector<512x1xi1>
    %convert_element_type3A = arith.extui %and3A_165 : vector<512x1xi1> to vector<512x1xi32>
    %convert_element_type3A_166 = arith.sitofp %convert_element_type3A : vector<512x1xi32> to vector<512x1xf32>
    %get3A_167 = arith.constant 0 : index
    %get3A_168 = arith.constant 0 : index
    %get3A_169 = vector.load %arg8[%get3A_167, %get3A_168] : memref<512x1xi32, #tpu.memory_space<vmem>>, vector<512x1xi32>
    %convert_element_type3A_170 = arith.sitofp %get3A_169 : vector<512x1xi32> to vector<512x1xf32>
    %broadcast_in_dim3A_171 = arith.constant 0.000000e+00 : f32
    %broadcast_in_dim3A_172 = vector.broadcast %broadcast_in_dim3A_171 : f32 to vector<512x6xf32>
    %concatenate3A = tpu.concatenate %convert_element_type3A_166, %convert_element_type3A_170, %broadcast_in_dim3A_172 in 1 : vector<512x1xf32>, vector<512x1xf32>, vector<512x6xf32> -> vector<512x8xf32>
    %swap3A_173 = arith.constant 0 : index
    %swap3A_174 = arith.constant 0 : index
    %swap3A_175 = vector.load %arg4[%swap3A_173, %swap3A_174] : memref<512x8xf32, #tpu.memory_space<vmem>>, vector<512x8xf32>
    tpu.vector_store %arg4[%swap3A_173, %swap3A_174], %concatenate3A {strides = array<i32>} : memref<512x8xf32, #tpu.memory_space<vmem>>, vector<512x8xf32>,
    %get3A_176 = arith.constant 0 : index
    %get3A_177 = arith.constant 0 : index
    %get3A_178 = vector.load %arg9[%get3A_176, %get3A_177] : memref<512x16xi32, #tpu.memory_space<vmem>>, vector<512x16xi32>
    %swap3A_179 = arith.constant 0 : index
    %swap3A_180 = arith.constant 0 : index
    %swap3A_181 = vector.load %arg5[%swap3A_179, %swap3A_180] : memref<512x16xi32, #tpu.memory_space<vmem>>, vector<512x16xi32>
    tpu.vector_store %arg5[%swap3A_179, %swap3A_180], %get3A_178 {strides = array<i32>} : memref<512x16xi32, #tpu.memory_space<vmem>>, vector<512x16xi32>,
    return
  }
  func.func @transform_0(%arg0: i32, %arg1: memref<1xi32, #tpu.memory_space<smem>>) -> (i32, i32) {
    %c0_i32 = arith.constant 0 : i32
    %c0_i32_0 = arith.constant 0 : i32
    return %arg0, %c0_i32 : i32, i32
  }
  func.func @transform_1(%arg0: i32, %arg1: memref<1xi32, #tpu.memory_space<smem>>) -> (i32, i32) {
    %c0_i32 = arith.constant 0 : i32
    %c0_i32_0 = arith.constant 0 : i32
    %c0_i32_1 = arith.constant 0 : i32
    return %c0_i32, %c0_i32_0 : i32, i32
  }
  func.func @transform_2(%arg0: i32, %arg1: memref<1xi32, #tpu.memory_space<smem>>) -> (i32, i32) {
    %c0_i32 = arith.constant 0 : i32
    %c0_i32_0 = arith.constant 0 : i32
    return %arg0, %c0_i32 : i32, i32
  }
  func.func @transform_3(%arg0: i32, %arg1: memref<1xi32, #tpu.memory_space<smem>>) -> (i32, i32) {
    %c0_i32 = arith.constant 0 : i32
    %c0_i32_0 = arith.constant 0 : i32
    return %arg0, %c0_i32 : i32, i32
  }
}

module attributes {stable_mosaic.version = 14 : i64} {
  func.func @_merge_body(%arg0: i32, %arg1: memref<512x128xf32, #tpu.memory_space<vmem>>, %arg2: memref<128x128xf32, #tpu.memory_space<vmem>>, %arg3: memref<1x128xf32, #tpu.memory_space<vmem>>, %arg4: memref<128x128xf32, #tpu.memory_space<vmem>>, %arg5: memref<1x128xf32, #tpu.memory_space<vmem>>, %arg6: memref<128x128xf32, #tpu.memory_space<vmem>>, %arg7: memref<1x128xf32, #tpu.memory_space<vmem>>, %arg8: memref<512x8xf32, #tpu.memory_space<vmem>>, %arg9: memref<512x8xf32, #tpu.memory_space<vmem>>, %arg10: memref<512x8xf32, #tpu.memory_space<vmem>>) attributes {dimension_semantics = [#tpu.dimension_semantics<arbitrary>], iteration_bounds = array<i64: 10>, scalar_prefetch = 0 : i64, scratch_operands = 0 : i64, tpu.core_type = #tpu.core_type<tc>, window_params = [{transform_indices = @transform_0, window_bounds = array<i64: 512, 128>}, {pipeline_mode = #tpu.pipeline_mode<synchronous>, transform_indices = @transform_1, window_bounds = array<i64: 128, 128>}, {pipeline_mode = #tpu.pipeline_mode<synchronous>, transform_indices = @transform_2, window_bounds = array<i64: 1, 128>}, {pipeline_mode = #tpu.pipeline_mode<synchronous>, transform_indices = @transform_3, window_bounds = array<i64: 128, 128>}, {pipeline_mode = #tpu.pipeline_mode<synchronous>, transform_indices = @transform_4, window_bounds = array<i64: 1, 128>}, {pipeline_mode = #tpu.pipeline_mode<synchronous>, transform_indices = @transform_5, window_bounds = array<i64: 128, 128>}, {pipeline_mode = #tpu.pipeline_mode<synchronous>, transform_indices = @transform_6, window_bounds = array<i64: 1, 128>}, {transform_indices = @transform_7, window_bounds = array<i64: 512, 8>}, {transform_indices = @transform_8, window_bounds = array<i64: 512, 8>}, {transform_indices = @transform_9, window_bounds = array<i64: 512, 8>}]} {
    %get3A = arith.constant 0 : index
    %get3A_0 = arith.constant 0 : index
    %get3A_1 = vector.load %arg1[%get3A, %get3A_0] : memref<512x128xf32, #tpu.memory_space<vmem>>, vector<512x128xf32>
    %get3A_2 = arith.constant 0 : index
    %get3A_3 = arith.constant 0 : index
    %get3A_4 = vector.load %arg2[%get3A_2, %get3A_3] : memref<128x128xf32, #tpu.memory_space<vmem>>, vector<128x128xf32>
    %dot_general3A = arith.constant dense<0.000000e+00> : vector<512x128xf32>
    %dot_general3A_5 = tpu.matmul %get3A_1, %get3A_4, %dot_general3A {dimension_numbers = #tpu.dot_dimension_numbers<[1], [0], [0], [1], [0, 0, 1, 1], [], []>, transpose_lhs_hint = false} : vector<512x128xf32>, vector<128x128xf32>, vector<512x128xf32> -> vector<512x128xf32>
    %get3A_6 = arith.constant 0 : index
    %get3A_7 = arith.constant 0 : index
    %get3A_8 = vector.load %arg3[%get3A_6, %get3A_7] : memref<1x128xf32, #tpu.memory_space<vmem>>, vector<1x128xf32>
    %add3A = vector.broadcast %get3A_8 : vector<1x128xf32> to vector<512x128xf32>
    %add3A_9 = arith.addf %dot_general3A_5, %add3A : vector<512x128xf32>
    %max3A = arith.constant 0.000000e+00 : f32
    %max3A_10 = vector.broadcast %max3A : f32 to vector<512x128xf32>
    %max3A_11 = arith.maximumf %add3A_9, %max3A_10 : vector<512x128xf32>
    %get3A_12 = arith.constant 0 : index
    %get3A_13 = arith.constant 0 : index
    %get3A_14 = vector.load %arg4[%get3A_12, %get3A_13] : memref<128x128xf32, #tpu.memory_space<vmem>>, vector<128x128xf32>
    %dot_general3A_15 = arith.constant dense<0.000000e+00> : vector<512x128xf32>
    %dot_general3A_16 = tpu.matmul %max3A_11, %get3A_14, %dot_general3A_15 {dimension_numbers = #tpu.dot_dimension_numbers<[1], [0], [0], [1], [0, 0, 1, 1], [], []>, transpose_lhs_hint = false} : vector<512x128xf32>, vector<128x128xf32>, vector<512x128xf32> -> vector<512x128xf32>
    %get3A_17 = arith.constant 0 : index
    %get3A_18 = arith.constant 0 : index
    %get3A_19 = vector.load %arg5[%get3A_17, %get3A_18] : memref<1x128xf32, #tpu.memory_space<vmem>>, vector<1x128xf32>
    %add3A_20 = vector.broadcast %get3A_19 : vector<1x128xf32> to vector<512x128xf32>
    %add3A_21 = arith.addf %dot_general3A_16, %add3A_20 : vector<512x128xf32>
    %max3A_22 = arith.constant 0.000000e+00 : f32
    %max3A_23 = vector.broadcast %max3A_22 : f32 to vector<512x128xf32>
    %max3A_24 = arith.maximumf %add3A_21, %max3A_23 : vector<512x128xf32>
    %get3A_25 = arith.constant 0 : index
    %get3A_26 = arith.constant 0 : index
    %get3A_27 = vector.load %arg6[%get3A_25, %get3A_26] : memref<128x128xf32, #tpu.memory_space<vmem>>, vector<128x128xf32>
    %dot_general3A_28 = arith.constant dense<0.000000e+00> : vector<512x128xf32>
    %dot_general3A_29 = tpu.matmul %max3A_24, %get3A_27, %dot_general3A_28 {dimension_numbers = #tpu.dot_dimension_numbers<[1], [0], [0], [1], [0, 0, 1, 1], [], []>, transpose_lhs_hint = false} : vector<512x128xf32>, vector<128x128xf32>, vector<512x128xf32> -> vector<512x128xf32>
    %get3A_30 = arith.constant 0 : index
    %get3A_31 = arith.constant 0 : index
    %get3A_32 = vector.load %arg7[%get3A_30, %get3A_31] : memref<1x128xf32, #tpu.memory_space<vmem>>, vector<1x128xf32>
    %add3A_33 = vector.broadcast %get3A_32 : vector<1x128xf32> to vector<512x128xf32>
    %add3A_34 = arith.addf %dot_general3A_29, %add3A_33 : vector<512x128xf32>
    %iota3A = tpu.iota {dimensions = array<i32: 1>} : vector<1x128xi32>
    %ge3A = arith.constant 3 : i32
    %ge3A_35 = vector.broadcast %ge3A : i32 to vector<1x128xi32>
    %ge3A_36 = arith.cmpi sge, %iota3A, %ge3A_35 : vector<1x128xi32>
    %lt3A = arith.constant 6 : i32
    %lt3A_37 = vector.broadcast %lt3A : i32 to vector<1x128xi32>
    %lt3A_38 = arith.cmpi slt, %iota3A, %lt3A_37 : vector<1x128xi32>
    %and3A = arith.andi %ge3A_36, %lt3A_38 : vector<1x128xi1>
    %jit3A = arith.constant 9.99999974E-6 : f32
    %jit3A_39 = arith.constant -3.400000e+38 : f32
    %broadcast_in_dim3A = vector.broadcast %jit3A : f32 to vector<1x128xf32>
    %broadcast_in_dim3A_40 = vector.broadcast %jit3A_39 : f32 to vector<1x128xf32>
    %select_n3A = arith.select %and3A, %broadcast_in_dim3A, %broadcast_in_dim3A_40 : vector<1x128xi1>, vector<1x128xf32>
    %max3A_41 = vector.broadcast %select_n3A : vector<1x128xf32> to vector<512x128xf32>
    %max3A_42 = arith.maximumf %add3A_34, %max3A_41 : vector<512x128xf32>
    %slice3A = vector.extract_strided_slice %max3A_42 {offsets = [0, 0], sizes = [512, 8], strides = [1, 1]} : vector<512x128xf32> to vector<512x8xf32>
    %get3A_43 = arith.constant 0 : index
    %get3A_44 = arith.constant 0 : index
    %get3A_45 = vector.load %arg8[%get3A_43, %get3A_44] : memref<512x8xf32, #tpu.memory_space<vmem>>, vector<512x8xf32>
    %slice3A_46 = vector.extract_strided_slice %get3A_45 {offsets = [0, 0], sizes = [512, 1], strides = [1, 1]} : vector<512x8xf32> to vector<512x1xf32>
    %gt3A = arith.constant 5.000000e-01 : f32
    %gt3A_47 = vector.broadcast %gt3A : f32 to vector<512x1xf32>
    %gt3A_48 = arith.cmpf ogt, %slice3A_46, %gt3A_47 : vector<512x1xf32>
    %slice3A_49 = vector.extract_strided_slice %get3A_45 {offsets = [0, 1], sizes = [512, 1], strides = [1, 1]} : vector<512x8xf32> to vector<512x1xf32>
    %gt3A_50 = arith.constant 1.500000e+00 : f32
    %gt3A_51 = vector.broadcast %gt3A_50 : f32 to vector<512x1xf32>
    %gt3A_52 = arith.cmpf ogt, %slice3A_49, %gt3A_51 : vector<512x1xf32>
    %and3A_53 = arith.andi %gt3A_48, %gt3A_52 : vector<512x1xi1>
    %get3A_54 = arith.constant 0 : index
    %get3A_55 = arith.constant 0 : index
    %get3A_56 = vector.load %arg9[%get3A_54, %get3A_55] : memref<512x8xf32, #tpu.memory_space<vmem>>, vector<512x8xf32>
    %broadcast_in_dim3A_57 = vector.shape_cast %and3A_53 : vector<512x1xi1> to vector<512x1xi1>
    %broadcast_in_dim3A_58 = vector.broadcast %broadcast_in_dim3A_57 : vector<512x1xi1> to vector<512x8xi1>
    %select_n3A_59 = arith.select %broadcast_in_dim3A_58, %slice3A, %get3A_56 : vector<512x8xi1>, vector<512x8xf32>
    %jit3A_60 = arith.constant 0.000000e+00 : f32
    %broadcast_in_dim3A_61 = vector.shape_cast %gt3A_48 : vector<512x1xi1> to vector<512x1xi1>
    %broadcast_in_dim3A_62 = vector.broadcast %broadcast_in_dim3A_61 : vector<512x1xi1> to vector<512x8xi1>
    %broadcast_in_dim3A_63 = vector.broadcast %jit3A_60 : f32 to vector<512x8xf32>
    %select_n3A_64 = arith.select %broadcast_in_dim3A_62, %select_n3A_59, %broadcast_in_dim3A_63 : vector<512x8xi1>, vector<512x8xf32>
    %swap3A = arith.constant 0 : index
    %swap3A_65 = arith.constant 0 : index
    %swap3A_66 = vector.load %arg10[%swap3A, %swap3A_65] : memref<512x8xf32, #tpu.memory_space<vmem>>, vector<512x8xf32>
    tpu.vector_store %arg10[%swap3A, %swap3A_65], %select_n3A_64 {strides = array<i32>} : memref<512x8xf32, #tpu.memory_space<vmem>>, vector<512x8xf32>,
    return
  }
  func.func @transform_0(%arg0: i32) -> (i32, i32) {
    %c0_i32 = arith.constant 0 : i32
    %c0_i32_0 = arith.constant 0 : i32
    return %arg0, %c0_i32 : i32, i32
  }
  func.func @transform_1(%arg0: i32) -> (i32, i32) {
    %c0_i32 = arith.constant 0 : i32
    %c0_i32_0 = arith.constant 0 : i32
    %c0_i32_1 = arith.constant 0 : i32
    return %c0_i32, %c0_i32_0 : i32, i32
  }
  func.func @transform_2(%arg0: i32) -> (i32, i32) {
    %c0_i32 = arith.constant 0 : i32
    %c0_i32_0 = arith.constant 0 : i32
    %c0_i32_1 = arith.constant 0 : i32
    return %c0_i32, %c0_i32_0 : i32, i32
  }
  func.func @transform_3(%arg0: i32) -> (i32, i32) {
    %c0_i32 = arith.constant 0 : i32
    %c0_i32_0 = arith.constant 0 : i32
    %c0_i32_1 = arith.constant 0 : i32
    return %c0_i32, %c0_i32_0 : i32, i32
  }
  func.func @transform_4(%arg0: i32) -> (i32, i32) {
    %c0_i32 = arith.constant 0 : i32
    %c0_i32_0 = arith.constant 0 : i32
    %c0_i32_1 = arith.constant 0 : i32
    return %c0_i32, %c0_i32_0 : i32, i32
  }
  func.func @transform_5(%arg0: i32) -> (i32, i32) {
    %c0_i32 = arith.constant 0 : i32
    %c0_i32_0 = arith.constant 0 : i32
    %c0_i32_1 = arith.constant 0 : i32
    return %c0_i32, %c0_i32_0 : i32, i32
  }
  func.func @transform_6(%arg0: i32) -> (i32, i32) {
    %c0_i32 = arith.constant 0 : i32
    %c0_i32_0 = arith.constant 0 : i32
    %c0_i32_1 = arith.constant 0 : i32
    return %c0_i32, %c0_i32_0 : i32, i32
  }
  func.func @transform_7(%arg0: i32) -> (i32, i32) {
    %c0_i32 = arith.constant 0 : i32
    %c0_i32_0 = arith.constant 0 : i32
    return %arg0, %c0_i32 : i32, i32
  }
  func.func @transform_8(%arg0: i32) -> (i32, i32) {
    %c0_i32 = arith.constant 0 : i32
    %c0_i32_0 = arith.constant 0 : i32
    return %arg0, %c0_i32 : i32, i32
  }
  func.func @transform_9(%arg0: i32) -> (i32, i32) {
    %c0_i32 = arith.constant 0 : i32
    %c0_i32_0 = arith.constant 0 : i32
    return %arg0, %c0_i32 : i32, i32
  }
}

</mosaic_0001>

<sc_bundles>
// kernel: gather_offload_async_start
scs
__scs_entry_jumppad:
0x0: {  	(pc) =	sbr.rel $0x88, $3  }
0x1: {  	(tag) =	ssettag $0x0;
	lr =	simm.s32 $0x1  }
0x2: {  	[smem:$0x3F98] =	sst lr;
	_ =	strace $0xD0000000  }
0x3: {  	_ = 	snop  }
0x4: {  	_ = 	snop  }
0x5: {  	_ = 	snop  }
0x6: {  	_ = 	snop  }
0x7: {  	_ = 	snop  }
__scs_overlays_trampoline_lowered:
0x8: {  	[smem:$0x3FA7] =	sst s0  }
0x9: {  	[smem:$0x3FA8] =	sst s1  }
0xa: {  	[smem:$0x3FA9] =	sst s2  }
0xb: {  	[smem:$0x3FAA] =	sst s3  }
0xc: {  	[smem:$0x3FAB] =	sst s4  }
0xd: {  	[smem:$0x3FAC] =	sst s5  }
0xe: {  	[smem:$0x3FAD] =	sst s6  }
0xf: {  	[smem:$0x3FAE] =	sst s7  }
0x10: {  	[smem:$0x3FAF] =	sst s8  }
0x11: {  	[smem:$0x3FB0] =	sst s9;
	s0 =	simm.s32 @!p0 $0x0  }
0x12: {  	s1 =	sld [smem:$0x3F96];
	s0 =	simm.s32 @p0 $0x1  }
0x13: {  	[smem:$0x3FB1] =	sst s0;
	s0 =	simm.s32 @!p1 $0x0  }
0x14: {  	s2 =	sld [smem:$0x3F95];
	s0 =	simm.s32 @p1 $0x1  }
0x15: {  	[smem:$0x3FB2] =	sst s0;
	s0 =	simm.s32 @!p2 $0x0  }
0x16: {  	s3 =	sld [smem:$0x3FDB];
	s0 =	simm.s32 @p2 $0x1  }
0x17: {  	s4 =	simm.s32 $0x1BF5;
	[smem:$0x3FB4] =	sst s0  }
0x18: {  	s0 =	sld [smem:$0x3F97];
	_ =	swait.ge [sflag:s4], $0x0  }
0x19: {  	s7 =	sld [smem:$0x3F98]  }
0x1a: {  	s8 =	sadd.s32 $0xFFFFE003, lr  }
0x1b: {  	s9 =	sadd.s32 $0xFFFFFEF7, lr;
	s5 =	simm.s32 $0xFFFFFFFF;
	p2 =	slt.u32 s8, $0xFFFFF086  }
0x1c: {  	p1 =	slt.u32 s9, $0xF7A;
	s5 =	simm.s32 @!p2 $0x0  }
0x1d: {  	s5 =	simm.s32 @p1 $0x1;
	p0 =	seq.s32 s7, s2  }
0x1e: {  	s7 =	smul.u32 @!p0 $0xF7A, s2;
	p2 =	seq.s32 @!p0 s5, $0x0  }
0x1f: {  	s9 =	smul.u32 $0xF7A, s1;
	s8 =	simm.s32 @!p0 $0x1BF5;
	p2 =	por !p2, p0  }
0x20: {  	[sflag:s8] =	ssyncset.s32 @!p0 $0xFFFFF086;
	s6 =	sadd.s32 @!p0 s3, s7;
	s7 =	simm.s32 @!p0 $0x108  }
0x21: {  	s3 =	sadd.s32 s3, s9;
	s6 =	sadd.s32 @!p0 $0x88, s6;
	s7 =	simm.s32 @p2 $0x1082  }
0x22: {  	[simem:s7], [sflag:s8] =	dma.local @!p0 [hbm:s6], $0xF7A  }
0x23: {  	s9 =	sor.u32 $0xD0000000, s2;
	s6 =	simm.s32 $0x108;
	_ =	swait.ge @!p0 [sflag:s8], $0x0  }
0x24: {  	s3 =	sadd.s32 $0x88, s3;
	s6 =	simm.s32 @!p1 $0x1082;
	[sflag:s4] =	ssyncset.s32 $0xFFFFF086  }
0x25: {  	[simem:s6], [sflag:s4] =	dma.local [hbm:s3], $0xF7A  }
0x26: {  	[smem:$0x3F98] =	sst s1;
	(tag) =	ssettag s2;
	_ =	strace s9  }
0x27: {  	s1 =	sld [smem:$0x3FA8]  }
0x28: {  	s2 =	sld [smem:$0x3FA9]  }
0x29: {  	s4 =	sld [smem:$0x3FAB]  }
0x2a: {  	p0 =	seq.s32 s5, $0x0;
	s5 =	sld [smem:$0x3FAC]  }
0x2b: {  	s6 =	sld [smem:$0x3FAD]  }
0x2c: {  	s7 =	sld [smem:$0x3FAE]  }
0x2d: {  	s3 =	simm.s32 $0x108;
	s8 =	sld [smem:$0x3FAF]  }
0x2e: {  	s3 =	simm.s32 @!p0 $0x1082;
	s9 =	sld [smem:$0x3FB0]  }
0x2f: {  	lr =	sadd.s32 s0, s3;
	s0 =	sld [smem:$0x3FA7]  }
0x30: {  	s3 =	sld [smem:$0x3FAA]  }
0x31: {  	[smem:$0x3FB3] =	sst s10  }
0x32: {  	s10 =	sld [smem:$0x3FB1];
	_ =	sdelay $0x3  }
0x33: {  	p0 =	seq.s32 s10, $0x1;
	s10 =	sld [smem:$0x3FB3];
	_ =	sdelay $0x3  }
0x34: {  	[smem:$0x3FB3] =	sst s10  }
0x35: {  	s10 =	sld [smem:$0x3FB2];
	_ =	sdelay $0x3  }
0x36: {  	p1 =	seq.s32 s10, $0x1;
	s10 =	sld [smem:$0x3FB3];
	_ =	sdelay $0x3  }
0x37: {  	[smem:$0x3FB3] =	sst s10  }
0x38: {  	s10 =	sld [smem:$0x3FB4]  }
0x39: {  	_ = 	snop;
	(pc) =	sbr.ind lr, $3  }
0x3a: {  	_ = 	snop  }
0x3b: {  	_ = 	snop  }
0x3c: {  	p2 =	seq.s32 s10, $0x1;
	s10 =	sld [smem:$0x3FB3]  }
0x3d: {  	_ =	shalt  }
0x3e: {  	_ =	shalt  }
0x3f: {  	_ =	shalt  }
0x40: {  	_ =	shalt  }
0x41: {  	_ =	shalt  }
0x42: {  	_ =	shalt  }
0x43: {  	_ =	shalt  }
0x44: {  	_ =	shalt  }
0x45: {  	_ =	shalt  }
0x46: {  	_ =	shalt  }
0x47: {  	_ =	shalt  }
0x48: {  	_ =	shalt  }
0x49: {  	_ =	shalt  }
0x4a: {  	_ =	shalt  }
0x4b: {  	_ =	shalt  }
0x4c: {  	_ =	shalt  }
0x4d: {  	_ =	shalt  }
0x4e: {  	_ =	shalt  }
0x4f: {  	_ =	shalt  }
0x50: {  	_ =	shalt  }
0x51: {  	_ =	shalt  }
0x52: {  	_ =	shalt  }
0x53: {  	_ =	shalt  }
0x54: {  	_ =	shalt  }
0x55: {  	_ =	shalt  }
0x56: {  	_ =	shalt  }
0x57: {  	_ =	shalt  }
0x58: {  	_ =	shalt  }
0x59: {  	_ =	shalt  }
0x5a: {  	_ =	shalt  }
0x5b: {  	_ =	shalt  }
0x5c: {  	_ =	shalt  }
0x5d: {  	_ =	shalt  }
0x5e: {  	_ =	shalt  }
0x5f: {  	_ =	shalt  }
0x60: {  	_ =	shalt  }
0x61: {  	_ =	shalt  }
0x62: {  	_ =	shalt  }
0x63: {  	_ =	shalt  }
0x64: {  	_ =	shalt  }
0x65: {  	_ =	shalt  }
0x66: {  	_ =	shalt  }
0x67: {  	_ =	shalt  }
0x68: {  	_ =	shalt  }
0x69: {  	_ =	shalt  }
0x6a: {  	_ =	shalt  }
0x6b: {  	_ =	shalt  }
0x6c: {  	_ =	shalt  }
0x6d: {  	_ =	shalt  }
0x6e: {  	_ =	shalt  }
0x6f: {  	_ =	shalt  }
0x70: {  	_ =	shalt  }
0x71: {  	_ =	shalt  }
0x72: {  	_ =	shalt  }
0x73: {  	_ =	shalt  }
0x74: {  	_ =	shalt  }
0x75: {  	_ =	shalt  }
0x76: {  	_ =	shalt  }
0x77: {  	_ =	shalt  }
0x78: {  	_ =	shalt  }
0x79: {  	_ =	shalt  }
0x7a: {  	_ =	shalt  }
0x7b: {  	_ =	shalt  }
0x7c: {  	_ =	shalt  }
0x7d: {  	_ =	shalt  }
0x7e: {  	_ =	shalt  }
0x7f: {  	_ =	shalt  }
0x80: {  	_ =	shalt  }
0x81: {  	_ =	shalt  }
0x82: {  	_ =	shalt  }
0x83: {  	_ =	shalt  }
0x84: {  	_ =	shalt  }
0x85: {  	_ =	shalt  }
0x86: {  	_ =	shalt  }
0x87: {  	_ =	shalt  }
.Lfunc_end0:
.L_simem_size_0:
called_computation_lowered:
.L_overlay_start_0:
0x88: {  	s0 =	sld [smem:$0x3FD9]  }
0x89: {  	s1 =	sld [smem:$0x3FFE];
	_ =	sdelay $0x3  }
0x8a: {  	s0 =	sadd.s32 s1, s0  }
0x8b: {  	[smem:$0x3FBF] =	sst s0  }
0x8c: {  	_ = 	snop  }
0x8d: {  	s0 =	sld [smem:$0x3FD0];
	(tm) =	ssettm $0x1  }
0x8e: {  	s16 =	sld [smem:$0x3FFB];
	_ =	sdelay $0x3  }
0x8f: {  	_ =	strace s16  }
0x90: {  	s1 =	sld [smem:$0x3FFC];
	_ =	sdelay $0x3  }
0x91: {  	_ =	strace s1  }
0x92: {  	s1 =	sld [smem:$0x3FFD];
	_ =	sdelay $0x3  }
0x93: {  	_ =	strace s1  }
0x94: {  	_ =	strace $0x8FFFFFFF  }
0x95: {  	s17 =	sld [smem:$0x3FDB];
	_ =	sdelay $0x1  }
0x96: {  	s2 =	simm.s32 $_scs_section_size  }
0x97: {  	s3 =	simm.s32 $_size__tile_overlayer_lowered;
	s4 =	simm.s32 $_tile_overlayer_lowered  }
0x98: {  	s20 =	simm.s32 $0x1BFF;
	s19 =	sshll.u32 s4, $0x1;
	s1 =	sadd.s32 s2, s17  }
0x99: {  	s5 =	simm.s32 $0x0;
	s18 =	sshll.u32 s3, $0x1;
	s3 =	sadd.s32 s19, s1  }
0x9a: {  	[timem:s5], [sflag:s20] =	dma.local [hbm:s3], s18  }
0x9b: {  	_ =	swait.ge [sflag:s20], s18  }
0x9c: {  	s2 =	ssub.s32 $0x0, s18;
	[sflag:s20] =	ssyncset.done $0x0  }
0x9d: {  	[sflag:s20] =	ssyncadd.s32 s2;
	_ =	sdelay $0x1  }
0x9e: {  	s21 =	simm.s32 $0x1B8B  }
0x9f: {  	_ =	swait.ge [sflag:s21], $0x1  }
0xa0: {  	[sflag:s21] =	ssyncset.done $0x0  }
0xa1: {  	s23 =	simm.s32 $0x1B8E;
	s22 =	sld [smem:$0x3FFE];
	[sflag:s21] =	ssyncadd.s32 $0xFFFFFFFF  }
0xa2: {  	s24 =	simm.s32 $execute0_lowered;
	[smem:$0x3FD2] =	sst s23  }
0xa3: {  	s3 =	sshll.u32 s24, $0x1;
	_ =	strace $0x80000046;
	[dreg:$0x1] =	wrdreg $0xFFFFFFFF  }
0xa4: {  	s25 =	simm.s32 $_size_execute0_lowered;
	s1 =	sadd.s32 s1, s3;
	[dreg:$0x0] =	wrdreg $0x0  }
0xa5: {  	s3 =	sshll.u32 s25, $0x1;
	[dreg:$0x2] =	wrdreg s1  }
0xa6: {  	[dreg:$0x3] =	wrdreg s3  }
0xa7: {  	[dreg:$0x4] =	wrdreg $0xC0  }
0xa8: {  	_ =	task [dreg:s5], $0x5FFFF  }
0xa9: {  	[dreg:$0x1] =	wrdreg $0xFFFFFFFF  }
0xaa: {  	[dreg:$0x0] =	wrdreg $0x60  }
0xab: {  	[dreg:$0x2] =	wrdreg s22  }
0xac: {  	[dreg:$0x3] =	wrdreg s0  }
0xad: {  	[dreg:$0x4] =	wrdreg $0x9  }
0xae: {  	_ =	task.clear_ibuf [dreg:s5], $0x5FFFF;
	_ =	strace $0x90000046  }
0xaf: {  	s26 =	simm.s32 $0x9;
	_ =	strace $0x80000048  }
0xb0: {  	_ =	swait.ge [sflag:s26], $0x1  }
0xb1: {  	[sflag:s26] =	ssyncadd.s32 $0xFFFFFFFF  }
0xb2: {  	_ =	strace $0x90000048  }
0xb3: {  	_ =	sfence  }
0xb4: {  	s28 =	sld [smem:$0x0];
	_ =	sdelay $0x1  }
0xb5: {  	s29 =	srdreg.scid  }
0xb6: {  	s30 =	sshll.u32 s29, $0xD;
	s31 =	sshrl.u32 s29, $0x2  }
0xb7: {  	s2 =	sand.u32 $0x4000, s30;
	s1 =	sand.u32 $0x1, s29;
	s0 =	sadd.s32 s31, s28  }
0xb8: {  	s1 =	sor.u32 s2, s1;
	s0 =	sshll.u32 s0, $0x11  }
0xb9: {  	s0 =	sor.u32 s0, s1  }
0xba: {  	s0 =	sadd.s32 $0x8F2B, s0  }
0xbb: {  	[sflag:s0] =	ssyncadd.remote.s32 $0x1  }
0xbc: {  	_ =	sfence.sel $0xFFFF  }
0xbd: {  	[dreg:$0x0] =	wrdreg $0xFFFFFFFF;
	(pc) =	sbr.abs _section_cstart, $3  }
0xbe: {  	[dreg:$0x1] =	wrdreg $0xFFFFFFFF  }
0xbf: {  	_ =	task.clear_ibuf [dreg:s5], $0x2FFFF;
	_ =	strace $0x9FFFFFFF  }
0xc0: {  	(tm) =	ssettm $0x7FFFFFFF  }
0xc1: {  	_ =	shalt  }
tec
execute0_lowered:
.L_overlay_start_1:
0x0: {  	(tag) =	ssettag $0x1  }
0x1: {  	s0 =	stileid.u32  }
0x2: {  	s1 =	smin.u32 s0, $0x9  }
0x3: {  	s1 =	sadd.s32 s0, s1  }
0x4: {  	s2 =	simm.s32 $0x190;
	p0 =	slt.u32 s0, $0x9;
	s1 =	smul.u32 $0xC8, s1  }
0x5: {  	s2 =	simm.s32 @!p0 $0xC8  }
0x6: {  	s2 =	sadd.s32 s2, s1  }
0x7: {  	s3 =	smin.u32 s2, $0x1388  }
0x8: {  	s7 =	ssub.s32 s3, s1  }
0x9: {  	p0 =	sgt.s32 s7, $0x0  }
0xa: {  	s7 =	simm.s32 @!p0 $0x0  }
0xb: {  	s31 =	sand.u32 $0xFFF8, s7  }
0xc: {  	s2 =	sshrl.u32 s31, $0x3  }
0xd: {  	s4 =	rddreg [dreg:$0x0];
	s2 =	smul.u32 $0x147B, s2  }
0xe: {  	s5 =	rddreg [dreg:$0x1]  }
0xf: {  	s6 =	simm.s32 $0x1;
	s10 =	simm.s32 $0x3;
	s8 =	sshrl.u32 s2, $0x11  }
0x10: {  	s13 =	simm.s32 $0x0;
	s12 =	simm.s32 $0x0;
	s9 =	smul.u32 $0xC8, s8  }
.Ltmp0:
0x11: {  	s11 =	smov.u32 s1;
	s2 =	rddreg [dreg:$0x2];
	(pc) =	sbr.rel .LBB2_1-.Ltmp0, $4  }
0x12: {  	_ =	strace $0x80000047;
	p0 =	sne.s32 s7, s9;
	s9 =	simm.s32 $0x1  }
0x13: {  	[sflag:s6] =	ssyncpa.u1 $0x0;
	s7 =	simm.s32 $0x2;
	s9 =	simm.s32 @!p0 $0x0  }
0x14: {  	[sflag:s7] =	ssyncpa.u1 $0x0;
	p0 =	por $0x0, $0x0;
	s8 =	sadd.s32 s8, s9  }
0x15: {  	vm0 =	vmmov $0xff;
	vm1 =	vcmask $0x3F20;
	s9 =	sadd.s32 $0x13A00, s4;
	[sflag:s10] =	ssyncpa.u1 $0x0;
	s10 =	sadd.s32 $0x1, s8  }
.LBB2_6:
0x16: {  	[hbm:s17] =	stream.linear.scatter [tilespmem:s14], [sflag:$0x3], $0x400, $0x38;
	[tilespmem:$0xC990] =	vst v63  }
.LBB2_7:
0x17: {  	s13 =	sadd.s32 $0xC8, s11  }
0x18: {  	s15 =	smov.u32 s1;
	p2 =	slt.s32 s13, s3  }
0x19: {  	s15 =	smov.u32 @p2 s13;
	p2 =	sne.s32 s12, s10  }
.Ltmp1:
0x1a: {  	p1 =	slt.u32 s12, $0x2;
	(pc) =	sbr.rel @!p2 .LBB2_8-.Ltmp1, $4  }
0x1b: {  	s14 =	simm.s32 @!p1 $0x3  }
0x1c: {  	s16 =	sadd.s32 $0x1, s12;
	_ =	swait.ge @!p1 [sflag:s14], $0x6400  }
0x1d: {  	p0 =	por !p0, !p0;
	s13 =	smov.u32 s11;
	[sflag:s14] =	ssyncset.done @!p1 $0x0  }
0x1e: {  	s12 =	smov.u32 s16;
	s11 =	smov.u32 s15;
	[sflag:s14] =	ssyncadd.s32 @!p1 $0xFFFF9C00  }
.LBB2_1:
0x1f: {  	p1 =	sge.u32 s12, s8  }
0x20: {  	s14 =	sxor.u32 @!p1 $0xFFFFFFFF, s12  }
0x21: {  	s14 =	sand.u32 @!p1 $0x1, s14  }
0x22: {  	s14 =	smul.u32 @!p1 $0x320, s14  }
0x23: {  	s31 =	sadd.s32 $0xFFFFFFFF, s12;
	s15 =	sshrl.u32 @!p1 s11, $0x3  }
0x24: {  	s16 =	sand.u32 @!p1 $0x7, s11;
	s15 =	sadd.s32 @!p1 s5, s15;
	s14 =	sshrl.u32 @!p1 s14, $0x2  }
0x25: {  	[tilespmem:s14], [sflag:$0x2] =	stream.linear.gather @!p1 [hbm4b:s15+s16], $0xC8, $0x38;
	[tilespmem:$0xC990] =	vst v63  }
0x26: {  	p1 =	sge.u32 s31, s8  }
.Ltmp2:
0x27: {  	_ = 	snop;
	(pc) =	sbr.rel @p1 .LBB2_7-.Ltmp2, $1  }
0x28: {  	_ =	sdelay $0x3  }
0x29: {  	s14 =	simm.s32 $0x1  }
0x2a: {  	s14 =	simm.s32 @!p0 $0x0  }
0x2b: {  	s15 =	smul.u32 $0x320, s14  }
0x2c: {  	_ =	swait.ge [sflag:s7], $0xC8  }
0x2d: {  	[sflag:s7] =	ssyncset.done $0x0;
	s16 =	sshrl.u32 s15, $0x2  }
0x2e: {  	[sflag:s7] =	ssyncadd.s32 $0xFFFFFF38;
	s15 =	sadd.s32 $0x0, s16  }
0x2f: {  	v0 =	vld.msk [tilespmem:s15+$0x0 ss:$0x1], $0xffff;
	_ =	sdelay $0x4  }
0x30: {  	vm2 =	vgt.s32 v0, $0x0  }
0x31: {  	v0 =	vnsel vm2, $0x0, v0  }
0x32: {  	v0 =	vmin.u32 v0, $0x1387  }
0x33: {  	v0 =	vshll.u32 v0, $0x4  }
0x34: {  	s14 =	smul.u32 $0x19000, s14  }
0x35: {  	s31 =	sand.u32 $0x1, s12  }
0x36: {  	s17 =	smul.u32 $0x320, s31;
	s14 =	sshrl.u32 s14, $0x2  }
0x37: {  	s19 =	smul.u32 $0x19000, s31;
	s14 =	sor.u32 $0x190, s14  }
0x38: {  	[tilespmem:s14], [sflag:$0x1] =	stream.indirect_vreg.gather [hbm:s4], $0x80, v0, vm0, $0x38;
	[tilespmem:$0xC990] =	vst v63  }
0x39: {  	s18 =	sshrl.u32 s17, $0x2;
	s20 =	sadd.s32 $0x10, s16;
	s15 =	sadd.s32 $0x400, s14  }
0x3a: {  	[tilespmem:s15], [sflag:$0x1] =	stream.indirect_vreg.gather [hbm:s4], $0x80, v0, vm1, $0x38;
	[tilespmem:$0xC990] =	vst v63  }
0x3b: {  	s17 =	sshrl.u32 s19, $0x2;
	s19 =	smov.u32 s14;
	v0 =	vld.msk [tilespmem:s20+$0x0 ss:$0x1], $0xffff;
	s20 =	simm.s32 $0x80  }
.LBB2_3:
0x3c: {  	p1 =	sne.s32 s20, $0x2C0;
	_ =	sdelay $0x4  }
0x3d: {  	vm2 =	vgt.s32 v0, $0x0  }
0x3e: {  	v0 =	vnsel vm2, $0x0, v0  }
0x3f: {  	v0 =	vmin.u32 v0, $0x1387  }
0x40: {  	v0 =	vshll.u32 v0, $0x4;
	_ =	sdelay $0x3  }
.Ltmp3:
0x41: {  	s21 =	sshra.s32 s20, $0x2;
	s19 =	sadd.s32 $0x800, s19;
	(pc) =	sbr.rel @p1 .LBB2_3-.Ltmp3, $4  }
0x42: {  	[tilespmem:s19], [sflag:$0x1] =	stream.indirect_vreg.gather [hbm:s4], $0x80, v0, vm0, $0x38;
	[tilespmem:$0xC990] =	vst v63  }
0x43: {  	s21 =	sadd.s32 s21, s16;
	s22 =	sadd.s32 $0x400, s19  }
0x44: {  	[tilespmem:s22], [sflag:$0x1] =	stream.indirect_vreg.gather [hbm:s4], $0x80, v0, vm1, $0x38;
	[tilespmem:$0xC990] =	vst v63  }
0x45: {  	s20 =	sadd.s32 $0x40, s20;
	v0 =	vld.msk [tilespmem:s21+$0x0 ss:$0x1], $0xffff  }
0x46: {  	_ =	sdelay $0x3  }
0x47: {  	vm2 =	vgt.s32 v0, $0x0  }
0x48: {  	v0 =	vnsel vm2, $0x0, v0  }
0x49: {  	v0 =	vmin.u32 v0, $0x1387  }
0x4a: {  	v0 =	vshll.u32 v0, $0x4;
	_ =	sdelay $0x3  }
0x4b: {  	s16 =	sadd.s32 $0x800, s19  }
0x4c: {  	[tilespmem:s16], [sflag:$0x1] =	stream.indirect_vreg.gather [hbm:s4], $0x80, v0, vm0, $0x38;
	[tilespmem:$0xC990] =	vst v63  }
0x4d: {  	s16 =	sadd.s32 $0x400, s16  }
0x4e: {  	[tilespmem:s16], [sflag:$0x1] =	stream.indirect_vreg.gather [hbm:s4], $0x80, v0, vm1, $0x38;
	[tilespmem:$0xC990] =	vst v63  }
0x4f: {  	v0 =	vld.msk [tilespmem:s18+$0xC0 ss:$0x1], $0xff;
	_ =	sdelay $0x4  }
0x50: {  	vm2 =	vgt.s32 v0, $0x0  }
0x51: {  	v0 =	vnsel vm2, $0x0, v0  }
0x52: {  	v0 =	vmin.u32 v0, $0x1387  }
0x53: {  	v0 =	vshll.u32 v0, $0x4;
	_ =	sdelay $0x3  }
0x54: {  	s31 =	sadd.s32 $0x6190, s17  }
0x55: {  	[tilespmem:s31], [sflag:$0x1] =	stream.indirect_vreg.gather [hbm:s4], $0x80, v0, vm0, $0x38;
	[tilespmem:$0xC990] =	vst v63  }
0x56: {  	s13 =	sshll.u32 s13, $0x4;
	_ =	swait.ge [sflag:s6], $0x6400  }
0x57: {  	s13 =	sadd.s32 s13, s9;
	[sflag:s6] =	ssyncset.done $0x0  }
0x58: {  	s17 =	sadd.s32 $0x0, s13;
	s16 =	simm.s32 $0x80;
	[sflag:s6] =	ssyncadd.s32 $0xFFFF9C00  }
.LBB2_5:
0x59: {  	[hbm:s17] =	stream.linear.scatter [tilespmem:s14], [sflag:$0x3], $0x400, $0x38;
	[tilespmem:$0xC990] =	vst v63  }
0x5a: {  	s17 =	smov.u32 s16;
	s14 =	smov.u32 s15;
	p1 =	sne.s32 s16, $0xC00  }
.Ltmp4:
0x5b: {  	s16 =	sadd.s32 $0x80, s16;
	(pc) =	sbr.rel @p1 .LBB2_5-.Ltmp4, $2  }
0x5c: {  	_ =	sdelay $0x2  }
0x5d: {  	s15 =	sadd.s32 $0x400, s15;
	s17 =	sadd.s32 s17, s13  }
.Ltmp5:
0x5e: {  	_ = 	snop;
	(pc) =	sbr.rel .LBB2_6-.Ltmp5, $1  }
0x5f: {  	_ =	sdelay $0x3  }
.LBB2_8:
0x60: {  	_ =	sfence.sel $0x180000  }
0x61: {  	s1 =	simm.s32 $0x2;
	[bflag:$0x0] =	sbarrier.arrive $0xFFFF  }
0x62: {  	s30 =	simm.s32 $0x3;
	[sflag:s1] =	ssyncpa.u1 $0x1  }
0x63: {  	s31 =	simm.s32 $0x1;
	[sflag:s30] =	ssyncpa.u1 $0x1  }
0x64: {  	[sflag:s31] =	ssyncpa.u1 $0x1  }
0x65: {  	p0 =	sne.s32 s0, $0x0;
	_ =	strace $0x90000047  }
0x66: {  	s0 =	sadd.s32 @!p0 $0x100000, s2;
	[bflag:$0x2] =	sbarrier.arrive $0xFFFF  }
0x67: {  	[sflag:s0] =	ssyncadd.tile.s32 @!p0 $0x1;
	_ =	shalt  }
.Lfunc_end2:
_tile_overlayer_lowered:
.L_overlay_start_2:
0x68: {  	(tag) =	ssettag $0x2  }
0x69: {  	s0 =	rddreg [dreg:$0x0];
	s2 =	stileid.u32  }
0x6a: {  	s1 =	rddreg [dreg:$0x1];
	p0 =	sne.s32 s2, $0x0  }
0x6b: {  	s3 =	rddreg [dreg:$0x2];
	[bflag:$0x3] =	sbarrier.arrive $0xFFFF;
	s2 =	simm.s32 @!p0 $0x1C01  }
0x6c: {  	[timem:s3], [sflag:s2] =	dma.local @!p0 [hbm:s0], s1  }
0x6d: {  	s0 =	simm.s32 @!p0 $0x1  }
0x6e: {  	_ =	swait.ge @!p0 [sflag:s0], s1  }
0x6f: {  	s1 =	ssub.s32 @!p0 $0x0, s1;
	[sflag:s0] =	ssyncset.done @!p0 $0x0  }
0x70: {  	[sflag:s0] =	ssyncadd.s32 @!p0 s1  }
0x71: {  	[bflag:$0x3] =	sbarrier.arrive $0xFFFF  }
0x72: {  	_ =	shalt  }

// kernel: kernel.5.cloned.1.call-start
scs
__scs_entry_jumppad:
0x0: {  	(pc) =	sbr.rel $0x88, $3  }
0x1: {  	(tag) =	ssettag $0x0;
	lr =	simm.s32 $0x1  }
0x2: {  	[smem:$0x3F98] =	sst lr;
	_ =	strace $0xD0000000  }
0x3: {  	_ = 	snop  }
0x4: {  	_ = 	snop  }
0x5: {  	_ = 	snop  }
0x6: {  	_ = 	snop  }
0x7: {  	_ = 	snop  }
__scs_overlays_trampoline_lowered:
0x8: {  	[smem:$0x3FA7] =	sst s0  }
0x9: {  	[smem:$0x3FA8] =	sst s1  }
0xa: {  	[smem:$0x3FA9] =	sst s2  }
0xb: {  	[smem:$0x3FAA] =	sst s3  }
0xc: {  	[smem:$0x3FAB] =	sst s4  }
0xd: {  	[smem:$0x3FAC] =	sst s5  }
0xe: {  	[smem:$0x3FAD] =	sst s6  }
0xf: {  	[smem:$0x3FAE] =	sst s7  }
0x10: {  	[smem:$0x3FAF] =	sst s8  }
0x11: {  	[smem:$0x3FB0] =	sst s9;
	s0 =	simm.s32 @!p0 $0x0  }
0x12: {  	s1 =	sld [smem:$0x3F96];
	s0 =	simm.s32 @p0 $0x1  }
0x13: {  	[smem:$0x3FB1] =	sst s0;
	s0 =	simm.s32 @!p1 $0x0  }
0x14: {  	s2 =	sld [smem:$0x3F95];
	s0 =	simm.s32 @p1 $0x1  }
0x15: {  	[smem:$0x3FB2] =	sst s0;
	s0 =	simm.s32 @!p2 $0x0  }
0x16: {  	s3 =	sld [smem:$0x3FDB];
	s0 =	simm.s32 @p2 $0x1  }
0x17: {  	s4 =	simm.s32 $0x1BF5;
	[smem:$0x3FB4] =	sst s0  }
0x18: {  	s0 =	sld [smem:$0x3F97];
	_ =	swait.ge [sflag:s4], $0x0  }
0x19: {  	s7 =	sld [smem:$0x3F98]  }
0x1a: {  	s8 =	sadd.s32 $0xFFFFE003, lr  }
0x1b: {  	s9 =	sadd.s32 $0xFFFFFEF7, lr;
	s5 =	simm.s32 $0xFFFFFFFF;
	p2 =	slt.u32 s8, $0xFFFFF086  }
0x1c: {  	p1 =	slt.u32 s9, $0xF7A;
	s5 =	simm.s32 @!p2 $0x0  }
0x1d: {  	s5 =	simm.s32 @p1 $0x1;
	p0 =	seq.s32 s7, s2  }
0x1e: {  	s7 =	smul.u32 @!p0 $0xF7A, s2;
	p2 =	seq.s32 @!p0 s5, $0x0  }
0x1f: {  	s9 =	smul.u32 $0xF7A, s1;
	s8 =	simm.s32 @!p0 $0x1BF5;
	p2 =	por !p2, p0  }
0x20: {  	[sflag:s8] =	ssyncset.s32 @!p0 $0xFFFFF086;
	s6 =	sadd.s32 @!p0 s3, s7;
	s7 =	simm.s32 @!p0 $0x108  }
0x21: {  	s3 =	sadd.s32 s3, s9;
	s6 =	sadd.s32 @!p0 $0x88, s6;
	s7 =	simm.s32 @p2 $0x1082  }
0x22: {  	[simem:s7], [sflag:s8] =	dma.local @!p0 [hbm:s6], $0xF7A  }
0x23: {  	s9 =	sor.u32 $0xD0000000, s2;
	s6 =	simm.s32 $0x108;
	_ =	swait.ge @!p0 [sflag:s8], $0x0  }
0x24: {  	s3 =	sadd.s32 $0x88, s3;
	s6 =	simm.s32 @!p1 $0x1082;
	[sflag:s4] =	ssyncset.s32 $0xFFFFF086  }
0x25: {  	[simem:s6], [sflag:s4] =	dma.local [hbm:s3], $0xF7A  }
0x26: {  	[smem:$0x3F98] =	sst s1;
	(tag) =	ssettag s2;
	_ =	strace s9  }
0x27: {  	s1 =	sld [smem:$0x3FA8]  }
0x28: {  	s2 =	sld [smem:$0x3FA9]  }
0x29: {  	s4 =	sld [smem:$0x3FAB]  }
0x2a: {  	p0 =	seq.s32 s5, $0x0;
	s5 =	sld [smem:$0x3FAC]  }
0x2b: {  	s6 =	sld [smem:$0x3FAD]  }
0x2c: {  	s7 =	sld [smem:$0x3FAE]  }
0x2d: {  	s3 =	simm.s32 $0x108;
	s8 =	sld [smem:$0x3FAF]  }
0x2e: {  	s3 =	simm.s32 @!p0 $0x1082;
	s9 =	sld [smem:$0x3FB0]  }
0x2f: {  	lr =	sadd.s32 s0, s3;
	s0 =	sld [smem:$0x3FA7]  }
0x30: {  	s3 =	sld [smem:$0x3FAA]  }
0x31: {  	[smem:$0x3FB3] =	sst s10  }
0x32: {  	s10 =	sld [smem:$0x3FB1];
	_ =	sdelay $0x3  }
0x33: {  	p0 =	seq.s32 s10, $0x1;
	s10 =	sld [smem:$0x3FB3];
	_ =	sdelay $0x3  }
0x34: {  	[smem:$0x3FB3] =	sst s10  }
0x35: {  	s10 =	sld [smem:$0x3FB2];
	_ =	sdelay $0x3  }
0x36: {  	p1 =	seq.s32 s10, $0x1;
	s10 =	sld [smem:$0x3FB3];
	_ =	sdelay $0x3  }
0x37: {  	[smem:$0x3FB3] =	sst s10  }
0x38: {  	s10 =	sld [smem:$0x3FB4]  }
0x39: {  	_ = 	snop;
	(pc) =	sbr.ind lr, $3  }
0x3a: {  	_ = 	snop  }
0x3b: {  	_ = 	snop  }
0x3c: {  	p2 =	seq.s32 s10, $0x1;
	s10 =	sld [smem:$0x3FB3]  }
0x3d: {  	_ =	shalt  }
0x3e: {  	_ =	shalt  }
0x3f: {  	_ =	shalt  }
0x40: {  	_ =	shalt  }
0x41: {  	_ =	shalt  }
0x42: {  	_ =	shalt  }
0x43: {  	_ =	shalt  }
0x44: {  	_ =	shalt  }
0x45: {  	_ =	shalt  }
0x46: {  	_ =	shalt  }
0x47: {  	_ =	shalt  }
0x48: {  	_ =	shalt  }
0x49: {  	_ =	shalt  }
0x4a: {  	_ =	shalt  }
0x4b: {  	_ =	shalt  }
0x4c: {  	_ =	shalt  }
0x4d: {  	_ =	shalt  }
0x4e: {  	_ =	shalt  }
0x4f: {  	_ =	shalt  }
0x50: {  	_ =	shalt  }
0x51: {  	_ =	shalt  }
0x52: {  	_ =	shalt  }
0x53: {  	_ =	shalt  }
0x54: {  	_ =	shalt  }
0x55: {  	_ =	shalt  }
0x56: {  	_ =	shalt  }
0x57: {  	_ =	shalt  }
0x58: {  	_ =	shalt  }
0x59: {  	_ =	shalt  }
0x5a: {  	_ =	shalt  }
0x5b: {  	_ =	shalt  }
0x5c: {  	_ =	shalt  }
0x5d: {  	_ =	shalt  }
0x5e: {  	_ =	shalt  }
0x5f: {  	_ =	shalt  }
0x60: {  	_ =	shalt  }
0x61: {  	_ =	shalt  }
0x62: {  	_ =	shalt  }
0x63: {  	_ =	shalt  }
0x64: {  	_ =	shalt  }
0x65: {  	_ =	shalt  }
0x66: {  	_ =	shalt  }
0x67: {  	_ =	shalt  }
0x68: {  	_ =	shalt  }
0x69: {  	_ =	shalt  }
0x6a: {  	_ =	shalt  }
0x6b: {  	_ =	shalt  }
0x6c: {  	_ =	shalt  }
0x6d: {  	_ =	shalt  }
0x6e: {  	_ =	shalt  }
0x6f: {  	_ =	shalt  }
0x70: {  	_ =	shalt  }
0x71: {  	_ =	shalt  }
0x72: {  	_ =	shalt  }
0x73: {  	_ =	shalt  }
0x74: {  	_ =	shalt  }
0x75: {  	_ =	shalt  }
0x76: {  	_ =	shalt  }
0x77: {  	_ =	shalt  }
0x78: {  	_ =	shalt  }
0x79: {  	_ =	shalt  }
0x7a: {  	_ =	shalt  }
0x7b: {  	_ =	shalt  }
0x7c: {  	_ =	shalt  }
0x7d: {  	_ =	shalt  }
0x7e: {  	_ =	shalt  }
0x7f: {  	_ =	shalt  }
0x80: {  	_ =	shalt  }
0x81: {  	_ =	shalt  }
0x82: {  	_ =	shalt  }
0x83: {  	_ =	shalt  }
0x84: {  	_ =	shalt  }
0x85: {  	_ =	shalt  }
0x86: {  	_ =	shalt  }
0x87: {  	_ =	shalt  }
.Lfunc_end0:
.L_simem_size_0:
called_computation.1_lowered:
.L_overlay_start_0:
0x88: {  	s2 =	sld [smem:$0x3FD9]  }
0x89: {  	s3 =	sld [smem:$0x3FFE];
	_ =	sdelay $0x1  }
0x8a: {  	s1 =	srdreg.scid  }
0x8b: {  	s0 =	sand.u32 $0x1, s1  }
0x8c: {  	s16 =	sshll.u32 s0, $0xA;
	s2 =	sadd.s32 s3, s2  }
0x8d: {  	s2 =	sadd.s32 s2, s16  }
0x8e: {  	[smem:$0x3FBF] =	sst s2  }
0x8f: {  	_ = 	snop  }
0x90: {  	(tm) =	ssettm $0x1  }
0x91: {  	s17 =	sld [smem:$0x3FFB];
	_ =	sdelay $0x3  }
0x92: {  	_ =	strace s17  }
0x93: {  	s2 =	sld [smem:$0x3FFC];
	_ =	sdelay $0x3  }
0x94: {  	_ =	strace s2  }
0x95: {  	s2 =	sld [smem:$0x3FFD];
	_ =	sdelay $0x3  }
0x96: {  	_ =	strace s2  }
0x97: {  	_ =	strace $0x8FFFFFFF  }
0x98: {  	s18 =	sld [smem:$0x3FDB];
	_ =	sdelay $0x1  }
0x99: {  	s19 =	simm.s32 $_scs_section_size  }
0x9a: {  	s4 =	simm.s32 $_size__tile_overlayer_lowered;
	s5 =	simm.s32 $_tile_overlayer_lowered  }
0x9b: {  	s22 =	simm.s32 $0x1BFF;
	s21 =	sshll.u32 s5, $0x1;
	s2 =	sadd.s32 s19, s18  }
0x9c: {  	s6 =	simm.s32 $0x0;
	s20 =	sshll.u32 s4, $0x1;
	s4 =	sadd.s32 s21, s2  }
0x9d: {  	[timem:s6], [sflag:s22] =	dma.local [hbm:s4], s20  }
0x9e: {  	_ =	swait.ge [sflag:s22], s20  }
0x9f: {  	s3 =	ssub.s32 $0x0, s20;
	[sflag:s22] =	ssyncset.done $0x0  }
0xa0: {  	[sflag:s22] =	ssyncadd.s32 s3;
	_ =	sdelay $0x1  }
0xa1: {  	s23 =	simm.s32 $0x1B8B  }
0xa2: {  	_ =	swait.ge [sflag:s23], $0x1  }
0xa3: {  	[sflag:s23] =	ssyncset.done $0x0  }
0xa4: {  	s25 =	simm.s32 $0x1B8E;
	s24 =	sld [smem:$0x3FFE];
	[sflag:s23] =	ssyncadd.s32 $0xFFFFFFFF  }
0xa5: {  	s26 =	simm.s32 $execute0_lowered;
	[smem:$0x3FD2] =	sst s25  }
0xa6: {  	s4 =	sshll.u32 s26, $0x1;
	_ =	strace $0x80000049;
	[dreg:$0x1] =	wrdreg $0xFFFFFFFF  }
0xa7: {  	s28 =	simm.s32 $_size_execute0_lowered;
	s2 =	sadd.s32 s2, s4;
	[dreg:$0x0] =	wrdreg $0x0  }
0xa8: {  	s4 =	sshll.u32 s28, $0x1;
	[dreg:$0x2] =	wrdreg s2  }
0xa9: {  	[dreg:$0x3] =	wrdreg s4  }
0xaa: {  	[dreg:$0x4] =	wrdreg $0xC0  }
0xab: {  	_ =	task [dreg:s6], $0x5FFFF  }
0xac: {  	[dreg:$0x1] =	wrdreg $0xFFFFFFFF  }
0xad: {  	[dreg:$0x0] =	wrdreg $0x60  }
0xae: {  	[dreg:$0x2] =	wrdreg s24  }
0xaf: {  	[dreg:$0x3] =	wrdreg $0x9  }
0xb0: {  	_ =	task.clear_ibuf [dreg:s6], $0x4FFFF;
	_ =	strace $0x90000049  }
0xb1: {  	s29 =	simm.s32 $0x9;
	_ =	strace $0x8000004B  }
0xb2: {  	_ =	swait.ge [sflag:s29], $0x1  }
0xb3: {  	[sflag:s29] =	ssyncadd.s32 $0xFFFFFFFF  }
0xb4: {  	_ =	strace $0x9000004B  }
0xb5: {  	_ =	sfence  }
0xb6: {  	s30 =	sld [smem:$0x0];
	_ =	sdelay $0x2  }
0xb7: {  	s31 =	sshll.u32 s1, $0xD;
	s1 =	sshrl.u32 s1, $0x2  }
0xb8: {  	s3 =	sand.u32 $0x4000, s31;
	s1 =	sadd.s32 s1, s30  }
0xb9: {  	s0 =	sor.u32 s3, s0;
	s1 =	sshll.u32 s1, $0x11  }
0xba: {  	s0 =	sor.u32 s1, s0  }
0xbb: {  	s0 =	sadd.s32 $0x8F2B, s0  }
0xbc: {  	[sflag:s0] =	ssyncadd.remote.s32 $0x1  }
0xbd: {  	_ =	sfence.sel $0xFFFF  }
0xbe: {  	[dreg:$0x0] =	wrdreg $0xFFFFFFFF;
	(pc) =	sbr.abs _section_cstart, $3  }
0xbf: {  	[dreg:$0x1] =	wrdreg $0xFFFFFFFF  }
0xc0: {  	_ =	task.clear_ibuf [dreg:s6], $0x2FFFF;
	_ =	strace $0x9FFFFFFF  }
0xc1: {  	(tm) =	ssettm $0x7FFFFFFF  }
tec
execute0_lowered:
.L_overlay_start_1:
0x0: {  	(tag) =	ssettag $0x1  }
0x1: {  	s1 =	srdreg.scid  }
0x2: {  	s0 =	stileid.u32;
	s4 =	rddreg [dreg:$0x0];
	s2 =	simm.s32 $0x0  }
0x3: {  	s8 =	simm.s32 $0xA040;
	s3 =	sand.u32 $0x1, s1;
	s5 =	sshll.u32 s0, $0x1  }
0x4: {  	s9 =	simm.s32 $0xF040;
	s10 =	simm.s32 $0x0;
	s5 =	sor.u32 s3, s5  }
0x5: {  	[smem:$0x7FF] =	sst s2;
	s6 =	ssub.s32 $0x2, s3;
	s5 =	smul.u32 $0xA00, s5  }
0x6: {  	s1 =	rddreg [dreg:$0x1];
	_ =	strace $0x8000004A;
	s7 =	sshrl.u32 s6, $0x1  }
0x7: {  	s3 =	sadd.s32 $0x14000, s4;
	s6 =	ssub.s32 s6, s7;
	s4 =	sadd.s32 s4, s5  }
0x8: {  	s7 =	simm.s32 $0x1;
	s6 =	smax.u32 s6, $0x1;
	s5 =	sadd.s32 $0x15600, s4  }
.LBB2_1:
0x9: {  	[tilespmem:s2], [sflag:$0x1] =	stream.linear.gather [hbm4b:s3+s2], $0xA040, $0x38;
	[tilespmem:$0x14040] =	vst v63  }
0xa: {  	_ =	swait.ge [sflag:s7], $0xA040  }
0xb: {  	[sflag:s7] =	ssyncset.done $0x0  }
0xc: {  	[sflag:s7] =	ssyncadd.s32 $0xFFFF5FC0  }
0xd: {  	[tilespmem:s8], [sflag:$0x1] =	stream.linear.gather [hbm4b:s4+s2], $0x5000, $0x38;
	[tilespmem:$0x14040] =	vst v63  }
0xe: {  	_ =	swait.ge [sflag:s7], $0x5000  }
0xf: {  	[sflag:s7] =	ssyncset.done $0x0  }
0x10: {  	s11 =	simm.s32 $0x0;
	[sflag:s7] =	ssyncadd.s32 $0xFFFFB000  }
0x11: {  	v0 =	vld [tilespmem:s11+$0xA040];
	_ =	sdelay $0x5  }
0x12: {  	v1 =	vld [tilespmem:s11+$0xA050];
	_ =	sdelay $0x1  }
0x13: {  	v0 =	vld.idx.msk [tilespmem:v0+s2+$0x0], $0xffff;
	_ =	sdelay $0x4  }
0x14: {  	[tilespmem:s11+$0xF040] =	vst v0;
	v0 =	vld [tilespmem:s11+$0xA060]  }
0x15: {  	v1 =	vld.idx.msk [tilespmem:v1+s2+$0x0], $0xffff;
	_ =	sdelay $0x4  }
0x16: {  	[tilespmem:s11+$0xF050] =	vst v1;
	v1 =	vld [tilespmem:s11+$0xA070];
	_ =	sdelay $0x1  }
0x17: {  	v0 =	vld.idx.msk [tilespmem:v0+s2+$0x0], $0xffff;
	_ =	sdelay $0x4  }
0x18: {  	[tilespmem:s11+$0xF060] =	vst v0;
	v0 =	vld [tilespmem:s11+$0xA080]  }
0x19: {  	v1 =	vld.idx.msk [tilespmem:v1+s2+$0x0], $0xffff;
	_ =	sdelay $0x4  }
0x1a: {  	[tilespmem:s11+$0xF070] =	vst v1;
	v1 =	vld [tilespmem:s11+$0xA090];
	_ =	sdelay $0x1  }
0x1b: {  	v0 =	vld.idx.msk [tilespmem:v0+s2+$0x0], $0xffff;
	_ =	sdelay $0x4  }
0x1c: {  	v2 =	vld [tilespmem:s11+$0xA0A0];
	[tilespmem:s11+$0xF080] =	vst v0  }
0x1d: {  	v0 =	vld.idx.msk [tilespmem:v1+s2+$0x0], $0xffff;
	_ =	sdelay $0x4  }
0x1e: {  	[tilespmem:s11+$0xF090] =	vst v0;
	v0 =	vld [tilespmem:s11+$0xA0B0];
	_ =	sdelay $0x1  }
0x1f: {  	v1 =	vld.idx.msk [tilespmem:v2+s2+$0x0], $0xffff;
	_ =	sdelay $0x3  }
0x20: {  	s13 =	simm.s32 $0x80;
	s12 =	simm.s32 $0x400  }
.LBB2_2:
0x21: {  	p0 =	sne.s32 s12, $0x13E00;
	v2 =	vld [tilespmem:s13+$0xA040];
	[tilespmem:s11+$0xF0A0] =	vst v1  }
0x22: {  	v0 =	vld.idx.msk [tilespmem:v0+s2+$0x0], $0xffff;
	_ =	sdelay $0x5  }
0x23: {  	v1 =	vld [tilespmem:s13+$0xA050];
	[tilespmem:s11+$0xF0B0] =	vst v0;
	s11 =	smov.u32 s13  }
0x24: {  	v0 =	vld.idx.msk [tilespmem:v2+s2+$0x0], $0xffff;
	_ =	sdelay $0x5  }
0x25: {  	[tilespmem:s11+$0xF040] =	vst v0;
	v0 =	vld [tilespmem:s11+$0xA060]  }
0x26: {  	v1 =	vld.idx.msk [tilespmem:v1+s2+$0x0], $0xffff;
	_ =	sdelay $0x5  }
0x27: {  	[tilespmem:s11+$0xF050] =	vst v1;
	v1 =	vld [tilespmem:s11+$0xA070]  }
0x28: {  	v0 =	vld.idx.msk [tilespmem:v0+s2+$0x0], $0xffff;
	_ =	sdelay $0x5  }
0x29: {  	[tilespmem:s11+$0xF060] =	vst v0;
	v0 =	vld [tilespmem:s11+$0xA080]  }
0x2a: {  	v1 =	vld.idx.msk [tilespmem:v1+s2+$0x0], $0xffff;
	_ =	sdelay $0x5  }
0x2b: {  	[tilespmem:s11+$0xF070] =	vst v1;
	v1 =	vld [tilespmem:s11+$0xA090]  }
0x2c: {  	v0 =	vld.idx.msk [tilespmem:v0+s2+$0x0], $0xffff;
	_ =	sdelay $0x5  }
0x2d: {  	[tilespmem:s11+$0xF080] =	vst v0;
	v2 =	vld [tilespmem:s11+$0xA0A0]  }
0x2e: {  	v0 =	vld.idx.msk [tilespmem:v1+s2+$0x0], $0xffff;
	_ =	sdelay $0x5  }
0x2f: {  	[tilespmem:s11+$0xF090] =	vst v0;
	v0 =	vld [tilespmem:s11+$0xA0B0]  }
0x30: {  	v1 =	vld.idx.msk [tilespmem:v2+s2+$0x0], $0xffff  }
.Ltmp0:
0x31: {  	(pc) =	sbr.rel @p0 .LBB2_2-.Ltmp0, $2  }
0x32: {  	_ =	sdelay $0x2  }
0x33: {  	s13 =	sshra.s32 s12, $0x2;
	s12 =	sadd.s32 $0x200, s12  }
0x34: {  	_ =	sdelay $0x1  }
0x35: {  	v2 =	vld [tilespmem:s13+$0xA040]  }
0x36: {  	[tilespmem:s11+$0xF0A0] =	vst v1  }
0x37: {  	v0 =	vld.idx.msk [tilespmem:v0+s2+$0x0], $0xffff;
	_ =	sdelay $0x3  }
0x38: {  	v1 =	vld [tilespmem:s13+$0xA050]  }
0x39: {  	[tilespmem:s11+$0xF0B0] =	vst v0  }
0x3a: {  	v0 =	vld.idx.msk [tilespmem:v2+s2+$0x0], $0xffff;
	_ =	sdelay $0x3  }
0x3b: {  	v58 =	vld [tilespmem:s13+$0xA060]  }
0x3c: {  	[tilespmem:s13+$0xF040] =	vst v0  }
0x3d: {  	v1 =	vld.idx.msk [tilespmem:v1+s2+$0x0], $0xffff;
	_ =	sdelay $0x3  }
0x3e: {  	v59 =	vld [tilespmem:s13+$0xA070]  }
0x3f: {  	[tilespmem:s13+$0xF050] =	vst v1  }
0x40: {  	v0 =	vld.idx.msk [tilespmem:v58+s2+$0x0], $0xffff;
	_ =	sdelay $0x3  }
0x41: {  	v60 =	vld [tilespmem:s13+$0xA080]  }
0x42: {  	[tilespmem:s13+$0xF060] =	vst v0  }
0x43: {  	v1 =	vld.idx.msk [tilespmem:v59+s2+$0x0], $0xffff;
	_ =	sdelay $0x3  }
0x44: {  	v61 =	vld [tilespmem:s13+$0xA090]  }
0x45: {  	[tilespmem:s13+$0xF070] =	vst v1  }
0x46: {  	v0 =	vld.idx.msk [tilespmem:v60+s2+$0x0], $0xffff;
	_ =	sdelay $0x3  }
0x47: {  	v62 =	vld [tilespmem:s13+$0xA0A0]  }
0x48: {  	[tilespmem:s13+$0xF080] =	vst v0  }
0x49: {  	v1 =	vld.idx.msk [tilespmem:v61+s2+$0x0], $0xffff;
	_ =	sdelay $0x3  }
0x4a: {  	v63 =	vld [tilespmem:s13+$0xA0B0]  }
0x4b: {  	[tilespmem:s13+$0xF090] =	vst v1  }
0x4c: {  	v0 =	vld.idx.msk [tilespmem:v62+s2+$0x0], $0xffff;
	_ =	sdelay $0x4  }
0x4d: {  	[tilespmem:s13+$0xF0A0] =	vst v0  }
0x4e: {  	v0 =	vld.idx.msk [tilespmem:v63+s2+$0x0], $0xffff;
	_ =	sdelay $0x2  }
0x4f: {  	s10 =	sadd.s32 $0x1, s10  }
0x50: {  	p0 =	sne.s32 s10, s6  }
.Ltmp1:
0x51: {  	[tilespmem:s13+$0xF0B0] =	vst v0;
	(pc) =	sbr.rel @p0 .LBB2_1-.Ltmp1, $4  }
0x52: {  	[hbm4b:s5+s2] =	stream.linear.scatter [tilespmem:s9], [sflag:$0x1], $0x5000, $0x38;
	[tilespmem:$0x14040] =	vst v63  }
0x53: {  	_ =	swait.ge [sflag:s7], $0x5000  }
0x54: {  	[sflag:s7] =	ssyncset.done $0x0  }
0x55: {  	[sflag:s7] =	ssyncadd.s32 $0xFFFFB000  }
0x56: {  	_ =	sfence.sel $0x180000  }
0x57: {  	[bflag:$0x0] =	sbarrier.arrive $0xFFFF  }
0x58: {  	p0 =	sne.s32 s0, $0x0;
	_ =	strace $0x9000004A  }
0x59: {  	s0 =	sadd.s32 @!p0 $0x100000, s1;
	[bflag:$0x2] =	sbarrier.arrive $0xFFFF  }
0x5a: {  	[sflag:s0] =	ssyncadd.tile.s32 @!p0 $0x1;
	_ =	shalt  }
.Lfunc_end2:
_tile_overlayer_lowered:
.L_overlay_start_2:
0x5b: {  	(tag) =	ssettag $0x2  }
0x5c: {  	s0 =	rddreg [dreg:$0x0];
	s2 =	stileid.u32  }
0x5d: {  	s1 =	rddreg [dreg:$0x1];
	p0 =	sne.s32 s2, $0x0  }
0x5e: {  	s3 =	rddreg [dreg:$0x2];
	[bflag:$0x3] =	sbarrier.arrive $0xFFFF;
	s2 =	simm.s32 @!p0 $0x1C01  }
0x5f: {  	[timem:s3], [sflag:s2] =	dma.local @!p0 [hbm:s0], s1  }
0x60: {  	s0 =	simm.s32 @!p0 $0x1  }
0x61: {  	_ =	swait.ge @!p0 [sflag:s0], s1  }
0x62: {  	s1 =	ssub.s32 @!p0 $0x0, s1;
	[sflag:s0] =	ssyncset.done @!p0 $0x0  }
0x63: {  	[sflag:s0] =	ssyncadd.s32 @!p0 s1  }
0x64: {  	[bflag:$0x3] =	sbarrier.arrive $0xFFFF  }
0x65: {  	_ =	shalt  }

</sc_bundles>
